<compile_context>
chip_gen: v7x
topology: tpu7x:2x2x1
jax: 0.10.2.dev20260603
libtpu: 0.0.44.dev20260713+nightly
codegen_flags: <defaults>
</compile_context>

<pallas_src>
import functools

import jax
import jax.numpy as jnp
from jax import lax
from jax.experimental import pallas as pl
from jax.experimental.pallas import tpu as pltpu
from jax.experimental.pallas import tpu_sc as plsc

CH = 128
N_TILES = 16
FH = 128


def _ceil_to(a, m):
    return (a + m - 1) // m * m



def _make_deg(npad, nch_tile):
    half = npad // 2
    rpt = npad // N_TILES
    hrpt = half // N_TILES
    mesh = plsc.VectorSubcoreMesh(core_axis_name="c", subcore_axis_name="s")

    @functools.partial(
        pl.kernel,
        out_type=jax.ShapeDtypeStruct((npad, 8), jnp.float32),
        mesh=mesh,
        scratch_types=[
            pltpu.VMEM((nch_tile, CH), jnp.int32),
            pltpu.VMEM((CH, 8), jnp.float32),
            pltpu.VMEM_SHARED((npad + 1, 8), jnp.float32),
        ],
    )
    def deg_kernel(dst2d, ones_hbm, deg_out, dst_v, ones_v, acc):
        c = lax.axis_index("c")
        s = lax.axis_index("s")
        pltpu.sync_copy(dst2d.at[pl.ds(s * nch_tile, nch_tile)], dst_v)
        pltpu.sync_copy(ones_hbm.at[pl.ds(0, CH)], ones_v)
        pltpu.sync_copy(ones_hbm.at[pl.ds(s * rpt, rpt)],
                        acc.at[pl.ds(s * rpt, rpt)])
        plsc.subcore_barrier()

        def body(j, carry):
            pltpu.sync_copy(ones_v, acc.at[dst_v.at[j]], add=True)
            return carry

        lax.fori_loop(0, nch_tile, body, 0)
        plsc.subcore_barrier()
        r0 = c * half + s * hrpt
        pltpu.sync_copy(acc.at[pl.ds(r0, hrpt)], deg_out.at[pl.ds(r0, hrpt)])

    return deg_kernel


def _make_prop(npad, nch_tile):
    rpt = npad // N_TILES
    mesh = plsc.VectorSubcoreMesh(core_axis_name="c", subcore_axis_name="s")

    @functools.partial(
        pl.kernel,
        out_type=jax.ShapeDtypeStruct((2 * npad, FH), jnp.float32),
        mesh=mesh,
        scratch_types=[
            pltpu.VMEM((nch_tile, CH), jnp.int32),
            pltpu.VMEM((nch_tile, CH), jnp.int32),
            pltpu.VMEM((CH, FH), jnp.float32),
            pltpu.VMEM_SHARED((npad + 1, FH), jnp.float32),
            pltpu.SemaphoreType.DMA,
        ],
    )
    def prop_kernel(y_cat, src3, dst2d, out_cat,
                    src_v, dst_v, buf0, acc, sem0):
        c = lax.axis_index("c")
        s = lax.axis_index("s")
        r0 = s * rpt
        o0 = s * (2 * rpt) + c * rpt
        nch_rows = N_TILES * nch_tile

        pltpu.sync_copy(y_cat.at[pl.ds(o0, rpt)], acc.at[pl.ds(r0, rpt)])
        e0 = s * nch_tile
        pltpu.sync_copy(src3.at[pl.ds(c * nch_rows + e0, nch_tile)], src_v)
        pltpu.sync_copy(dst2d.at[pl.ds(e0, nch_tile)], dst_v)
        plsc.subcore_barrier()

        def body(j, carry):
            pltpu.async_copy(y_cat.at[src_v.at[j]], buf0, sem0).wait()
            pltpu.sync_copy(buf0, acc.at[dst_v.at[j]], add=True)
            return carry

        lax.fori_loop(0, nch_tile, body, 0)

        plsc.subcore_barrier()
        pltpu.sync_copy(acc.at[pl.ds(r0, rpt)],
                        out_cat.at[pl.ds(o0, rpt)])

    return prop_kernel



def _make_scale(npad):
    br = npad // N_TILES

    def body(deg_ref, x_ref, o_ref):
        dinv = lax.rsqrt(deg_ref[:, 0:1])
        t = x_ref[...] * dinv
        o_ref[...] = jnp.concatenate([t[:, :FH], t[:, FH:]], axis=0)

    return pl.pallas_call(
        body,
        grid=(N_TILES,),
        in_specs=[pl.BlockSpec((br, 8), lambda i: (i, 0)),
                  pl.BlockSpec((br, 2 * FH), lambda i: (i, 0))],
        out_specs=pl.BlockSpec((2 * br, FH), lambda i: (i, 0)),
        out_shape=jax.ShapeDtypeStruct((2 * npad, FH), jnp.float32),
    )


def _make_layer1(npad, fout):
    br = npad // N_TILES

    def body(deg_ref, lo_ref, hi_ref, w_ref, b_ref, o_ref):
        dinv = lax.rsqrt(deg_ref[:, 0:1])
        sfull = jnp.concatenate([lo_ref[...], hi_ref[...]], axis=1) * dinv
        h = jnp.dot(sfull, w_ref[...], preferred_element_type=jnp.float32)
        h = jnp.maximum(h + b_ref[...], 0.0) * dinv
        o_ref[...] = jnp.concatenate([h[:, :FH], h[:, FH:]], axis=0)

    return pl.pallas_call(
        body,
        grid=(N_TILES,),
        in_specs=[pl.BlockSpec((br, 8), lambda i: (i, 0)),
                  pl.BlockSpec((br, FH), lambda i: (2 * i, 0)),
                  pl.BlockSpec((br, FH), lambda i: (2 * i + 1, 0)),
                  pl.BlockSpec((2 * FH, fout), lambda i: (0, 0)),
                  pl.BlockSpec((1, fout), lambda i: (0, 0))],
        out_specs=pl.BlockSpec((2 * br, FH), lambda i: (i, 0)),
        out_shape=jax.ShapeDtypeStruct((2 * npad, FH), jnp.float32),
    )


def _make_layer2(npad, fout, nrows_out):
    br = npad // N_TILES

    def body(deg_ref, lo_ref, hi_ref, w_ref, b_ref, o_ref):
        dinv = lax.rsqrt(deg_ref[:, 0:1])
        sfull = jnp.concatenate([lo_ref[...], hi_ref[...]], axis=1) * dinv
        h = jnp.dot(sfull, w_ref[...], preferred_element_type=jnp.float32)
        o_ref[...] = jnp.maximum(h + b_ref[...], 0.0)

    return pl.pallas_call(
        body,
        grid=(N_TILES,),
        in_specs=[pl.BlockSpec((br, 8), lambda i: (i, 0)),
                  pl.BlockSpec((br, FH), lambda i: (2 * i, 0)),
                  pl.BlockSpec((br, FH), lambda i: (2 * i + 1, 0)),
                  pl.BlockSpec((2 * FH, fout), lambda i: (0, 0)),
                  pl.BlockSpec((1, fout), lambda i: (0, 0))],
        out_specs=pl.BlockSpec((br, fout), lambda i: (i, 0)),
        out_shape=jax.ShapeDtypeStruct((nrows_out, fout), jnp.float32),
    )



def kernel(x, edge_index, W1, b1, W2, b2):
    n, f = x.shape
    e = edge_index.shape[1]
    npad = _ceil_to(n, 1024)
    epad = _ceil_to(e, CH * N_TILES * 8)
    nch_tile = epad // (CH * N_TILES)

    ei = edge_index.astype(jnp.int32)
    src = jnp.pad(ei[0], (0, epad - e))
    dst = jnp.pad(ei[1], (0, epad - e), constant_values=npad)
    src2d = src.reshape(-1, CH)
    br = npad // N_TILES
    lo = (src2d // br) * (2 * br) + src2d % br
    src3 = jnp.concatenate([lo, lo + br], axis=0)
    dst2d = dst.reshape(-1, CH)
    x_p = jnp.pad(x, ((0, npad - n), (0, 0)))
    ones = jnp.ones((npad, 8), jnp.float32)

    deg_k = _make_deg(npad, nch_tile)
    prop_k = _make_prop(npad, nch_tile)
    scale_k = _make_scale(npad)
    layer1_k = _make_layer1(npad, f)
    layer2_k = _make_layer2(npad, W2.shape[1], n)

    deg = deg_k(dst2d, ones)
    y1 = scale_k(deg, x_p)
    s1 = prop_k(y1, src3, dst2d)
    y2 = layer1_k(deg, s1, s1, W1, b1.reshape(1, -1))
    s2 = prop_k(y2, src3, dst2d)
    return layer2_k(deg, s2, s2, W2, b2.reshape(1, -1))

# --- scband reference (transcript-rebuilt; emitter-appended) ---
"""Pipeline reference for scband-gcnstack-87686052315400 (READ-ONLY COPY).

The authoritative reference and input builder live on the scoring server;
editing this copy changes nothing except your own understanding.
"""

import jax, jax.numpy as jnp
import numpy as np

N_NODES = 10000
N_EDGES = 160000


def gcn_conv(x, edge_index, W, b, n_nodes):
    # GCNConv: out = D^{-1/2} (A + I) D^{-1/2} X W + b
    src = edge_index[0]
    dst = edge_index[1]
    # add self-loops
    loop = jnp.arange(n_nodes, dtype=edge_index.dtype)
    src = jnp.concatenate([src, loop], axis=0)
    dst = jnp.concatenate([dst, loop], axis=0)
    # linear transform first (standard GCNConv order)
    h = x @ W
    # symmetric normalization
    deg = jnp.zeros((n_nodes,), dtype=h.dtype).at[dst].add(1.0)
    deg_inv_sqrt = jnp.where(deg > 0, jax.lax.rsqrt(jnp.maximum(deg, 1e-12)), 0.0)
    norm = deg_inv_sqrt[src] * deg_inv_sqrt[dst]
    # gather messages from src, scale, scatter-add to dst
    msgs = h[src] * norm[:, None]
    out = jax.ops.segment_sum(msgs, dst, num_segments=n_nodes)
    return out + b


def setup_inputs(seed: int = 0) -> dict:
    key = jax.random.key(seed)
    k_x, k_e, k_w1, k_b1, k_w2, k_b2 = jax.random.split(key, 6)
    x = jax.random.normal(k_x, (N_NODES, 256), dtype=jnp.float32)
    edge_index = jax.random.randint(k_e, (2, N_EDGES), 0, N_NODES, dtype=jnp.int64)
    # glorot-ish init for weights
    W1 = jax.random.normal(k_w1, (256, 256), dtype=jnp.float32) * (1.0 / np.sqrt(256.0))
    b1 = jnp.zeros((256,), dtype=jnp.float32)
    W2 = jax.random.normal(k_w2, (256, 500), dtype=jnp.float32) * (1.0 / np.sqrt(256.0))
    b2 = jnp.zeros((500,), dtype=jnp.float32)
    return {"x": x, "edge_index": edge_index, "W1": W1, "b1": b1, "W2": W2, "b2": b2}


def reference(x, edge_index, W1, b1, W2, b2):
    n_nodes = x.shape[0]
    h = gcn_conv(x, edge_index, W1, b1, n_nodes)
    h = jax.nn.relu(h)
    h = gcn_conv(h, edge_index, W2, b2, n_nodes)
    h = jax.nn.relu(h)
    return h

if __name__ == "__main__":
    import jax
    _d = setup_inputs()
    print(jax.jit(kernel)(*tuple(_d.values())))

</pallas_src>

<mosaic_0001>
#map = affine_map<(d0, d1) -> (0, 0)>
module attributes {stable_mosaic.version = 14 : i64} {
  func.func @deg_kernel(%arg0: i32, %arg1: i32, %arg2: memref<1280x128xi32, #tpu.memory_space<hbm>>, %arg3: memref<10240x8xf32, #tpu.memory_space<hbm>>, %arg4: memref<10240x8xf32, #tpu.memory_space<hbm>>, %arg5: memref<80x128xi32, #tpu.memory_space<vmem>>, %arg6: memref<128x8xf32, #tpu.memory_space<vmem>>, %arg7: memref<10241x8xf32, #tpu.memory_space<vmem_shared>>) attributes {dimension_semantics = [#tpu.dimension_semantics<core_parallel>, #tpu.dimension_semantics<subcore_parallel>], iteration_bounds = array<i64: 2, 16>, scalar_prefetch = 0 : i64, scratch_operands = 3 : i64, tpu.core_type = #tpu.core_type<sc_vector_subcore>, window_params = [{transform_indices = #map}, {transform_indices = #map}, {transform_indices = #map}]} {
    %mul3A = arith.constant 80 : i32
    %mul3A_0 = arith.muli %arg1, %mul3A : i32
    "tpu.region"() ({
      %run_scoped3A = tpu.sem_alloc : memref<!tpu.dma_semaphore, #tpu.memory_space<semaphore_mem>>
      %dma_start3A = arith.constant 0 : i32
      %dma_start3A_15 = tpu.memref_slice %arg2[%mul3A_0, %dma_start3A] : memref<1280x128xi32, #tpu.memory_space<hbm>> -> memref<80x128xi32, #tpu.memory_space<hbm>>
      %dma_start3A_16 = arith.constant 0 : i32
      %dma_start3A_17 = tpu.memref_slice %arg2[%mul3A_0, %dma_start3A_16] : memref<1280x128xi32, #tpu.memory_space<hbm>> -> memref<80x128xi32, #tpu.memory_space<hbm>>
      tpu.enqueue_dma source(%dma_start3A_17 : memref<80x128xi32, #tpu.memory_space<hbm>>) target(%arg5 : memref<80x128xi32, #tpu.memory_space<vmem>>) target_semaphore(%run_scoped3A : memref<!tpu.dma_semaphore, #tpu.memory_space<semaphore_mem>>)
      %dma_wait3A = arith.constant 0 : i32
      %dma_wait3A_18 = tpu.memref_slice %arg2[%mul3A_0, %dma_wait3A] : memref<1280x128xi32, #tpu.memory_space<hbm>> -> memref<80x128xi32, #tpu.memory_space<hbm>>
      %dma_wait3A_19 = arith.constant 0 : i32
      %dma_wait3A_20 = tpu.memref_slice %arg2[%mul3A_0, %dma_wait3A_19] : memref<1280x128xi32, #tpu.memory_space<hbm>> -> memref<80x128xi32, #tpu.memory_space<hbm>>
      tpu.wait_dma2 semaphore(%run_scoped3A : memref<!tpu.dma_semaphore, #tpu.memory_space<semaphore_mem>>) src(%dma_wait3A_20 : memref<80x128xi32, #tpu.memory_space<hbm>>) dst(%arg5 : memref<80x128xi32, #tpu.memory_space<vmem>>)
      tpu.yield
    }) : () -> ()
    "tpu.region"() ({
      %run_scoped3A = tpu.sem_alloc : memref<!tpu.dma_semaphore, #tpu.memory_space<semaphore_mem>>
      %dma_start3A = arith.constant 0 : i32
      %dma_start3A_15 = arith.constant 0 : i32
      %dma_start3A_16 = tpu.memref_slice %arg3[%dma_start3A, %dma_start3A_15] : memref<10240x8xf32, #tpu.memory_space<hbm>> -> memref<128x8xf32, #tpu.memory_space<hbm>>
      %dma_start3A_17 = arith.constant 0 : i32
      %dma_start3A_18 = arith.constant 0 : i32
      %dma_start3A_19 = tpu.memref_slice %arg3[%dma_start3A_17, %dma_start3A_18] : memref<10240x8xf32, #tpu.memory_space<hbm>> -> memref<128x8xf32, #tpu.memory_space<hbm>>
      tpu.enqueue_dma source(%dma_start3A_19 : memref<128x8xf32, #tpu.memory_space<hbm>>) target(%arg6 : memref<128x8xf32, #tpu.memory_space<vmem>>) target_semaphore(%run_scoped3A : memref<!tpu.dma_semaphore, #tpu.memory_space<semaphore_mem>>)
      %dma_wait3A = arith.constant 0 : i32
      %dma_wait3A_20 = arith.constant 0 : i32
      %dma_wait3A_21 = tpu.memref_slice %arg3[%dma_wait3A, %dma_wait3A_20] : memref<10240x8xf32, #tpu.memory_space<hbm>> -> memref<128x8xf32, #tpu.memory_space<hbm>>
      %dma_wait3A_22 = arith.constant 0 : i32
      %dma_wait3A_23 = arith.constant 0 : i32
      %dma_wait3A_24 = tpu.memref_slice %arg3[%dma_wait3A_22, %dma_wait3A_23] : memref<10240x8xf32, #tpu.memory_space<hbm>> -> memref<128x8xf32, #tpu.memory_space<hbm>>
      tpu.wait_dma2 semaphore(%run_scoped3A : memref<!tpu.dma_semaphore, #tpu.memory_space<semaphore_mem>>) src(%dma_wait3A_24 : memref<128x8xf32, #tpu.memory_space<hbm>>) dst(%arg6 : memref<128x8xf32, #tpu.memory_space<vmem>>)
      tpu.yield
    }) : () -> ()
    %mul3A_1 = arith.constant 640 : i32
    %mul3A_2 = arith.muli %arg1, %mul3A_1 : i32
    %mul3A_3 = arith.constant 640 : i32
    %mul3A_4 = arith.muli %arg1, %mul3A_3 : i32
    "tpu.region"() ({
      %run_scoped3A = tpu.sem_alloc : memref<!tpu.dma_semaphore, #tpu.memory_space<semaphore_mem>>
      %dma_start3A = arith.constant 0 : i32
      %dma_start3A_15 = tpu.memref_slice %arg7[%mul3A_4, %dma_start3A] : memref<10241x8xf32, #tpu.memory_space<vmem_shared>> -> memref<640x8xf32, #tpu.memory_space<vmem_shared>>
      %dma_start3A_16 = arith.constant 0 : i32
      %dma_start3A_17 = tpu.memref_slice %arg3[%mul3A_2, %dma_start3A_16] : memref<10240x8xf32, #tpu.memory_space<hbm>> -> memref<640x8xf32, #tpu.memory_space<hbm>>
      tpu.enqueue_dma source(%dma_start3A_17 : memref<640x8xf32, #tpu.memory_space<hbm>>) target(%dma_start3A_15 : memref<640x8xf32, #tpu.memory_space<vmem_shared>>) target_semaphore(%run_scoped3A : memref<!tpu.dma_semaphore, #tpu.memory_space<semaphore_mem>>)
      %dma_wait3A = arith.constant 0 : i32
      %dma_wait3A_18 = tpu.memref_slice %arg7[%mul3A_4, %dma_wait3A] : memref<10241x8xf32, #tpu.memory_space<vmem_shared>> -> memref<640x8xf32, #tpu.memory_space<vmem_shared>>
      %dma_wait3A_19 = arith.constant 0 : i32
      %dma_wait3A_20 = tpu.memref_slice %arg3[%mul3A_2, %dma_wait3A_19] : memref<10240x8xf32, #tpu.memory_space<hbm>> -> memref<640x8xf32, #tpu.memory_space<hbm>>
      tpu.wait_dma2 semaphore(%run_scoped3A : memref<!tpu.dma_semaphore, #tpu.memory_space<semaphore_mem>>) src(%dma_wait3A_20 : memref<640x8xf32, #tpu.memory_space<hbm>>) dst(%dma_wait3A_18 : memref<640x8xf32, #tpu.memory_space<vmem_shared>>)
      tpu.yield
    }) : () -> ()
    %barrier3A = arith.constant 0 : index
    tpu.barrier barrier_id(%barrier3A)
    %scan3A = arith.constant 0 : i32
    %scan3A_5 = arith.constant 0 : i32
    %scan3A_6 = arith.constant 80 : i32
    %scan3A_7 = arith.addi %scan3A_5, %scan3A_6 : i32
    %scan3A_8 = arith.constant 1 : i32
    scf.for %scan3A_15 = %scan3A_5 to %scan3A_7 step %scan3A_8  : i32 {
      "tpu.region"() ({
        %run_scoped3A = tpu.sem_alloc : memref<!tpu.dma_semaphore, #tpu.memory_space<semaphore_mem>>
        %dma_start3A = arith.constant 0 : i32
        %dma_start3A_16 = tpu.memref_slice %arg5[%scan3A_15, %dma_start3A] : memref<80x128xi32, #tpu.memory_space<vmem>> -> memref<1x128xi32, #tpu.memory_space<vmem>>
        %dma_start3A_17 = tpu.memref_squeeze %dma_start3A_16 : memref<1x128xi32, #tpu.memory_space<vmem>> -> memref<128xi32, #tpu.memory_space<vmem>>
        %dma_start3A_18 = arith.constant 0 : i32
        %dma_start3A_19 = arith.constant 0 : i32
        %dma_start3A_20 = tpu.memref_slice %arg7[%dma_start3A_18, %dma_start3A_19] : memref<10241x8xf32, #tpu.memory_space<vmem_shared>> -> memref<10241x8xf32, #tpu.memory_space<vmem_shared>>
        tpu.enqueue_indirect_dma source(%arg6 : memref<128x8xf32, #tpu.memory_space<vmem>>) target(%dma_start3A_20 : memref<10241x8xf32, #tpu.memory_space<vmem_shared>>) offsets(%dma_start3A_17 : memref<128xi32, #tpu.memory_space<vmem>>) semaphore(%run_scoped3A : memref<!tpu.dma_semaphore, #tpu.memory_space<semaphore_mem>>) {add = true}
        %dma_wait3A = arith.constant 0 : i32
        %dma_wait3A_21 = tpu.memref_slice %arg5[%scan3A_15, %dma_wait3A] : memref<80x128xi32, #tpu.memory_space<vmem>> -> memref<1x128xi32, #tpu.memory_space<vmem>>
        %dma_wait3A_22 = tpu.memref_squeeze %dma_wait3A_21 : memref<1x128xi32, #tpu.memory_space<vmem>> -> memref<128xi32, #tpu.memory_space<vmem>>
        %dma_wait3A_23 = arith.constant 0 : i32
        %dma_wait3A_24 = arith.constant 0 : i32
        %dma_wait3A_25 = tpu.memref_slice %arg7[%dma_wait3A_23, %dma_wait3A_24] : memref<10241x8xf32, #tpu.memory_space<vmem_shared>> -> memref<10241x8xf32, #tpu.memory_space<vmem_shared>>
        tpu.wait_indirect_dma semaphore(%run_scoped3A : memref<!tpu.dma_semaphore, #tpu.memory_space<semaphore_mem>>) src(%arg6 : memref<128x8xf32, #tpu.memory_space<vmem>>) dst(%dma_wait3A_25 : memref<10241x8xf32, #tpu.memory_space<vmem_shared>>)
        tpu.yield
      }) : () -> ()
    }
    %scan3A_9 = arith.constant 80 : i32
    %barrier3A_10 = arith.constant 0 : index
    tpu.barrier barrier_id(%barrier3A_10)
    %mul3A_11 = arith.constant 5120 : i32
    %mul3A_12 = arith.muli %arg0, %mul3A_11 : i32
    %mul3A_13 = arith.constant 320 : i32
    %mul3A_14 = arith.muli %arg1, %mul3A_13 : i32
    %add3A = arith.addi %mul3A_12, %mul3A_14 : i32
    "tpu.region"() ({
      %run_scoped3A = tpu.sem_alloc : memref<!tpu.dma_semaphore, #tpu.memory_space<semaphore_mem>>
      %dma_start3A = arith.constant 0 : i32
      %dma_start3A_15 = tpu.memref_slice %arg4[%add3A, %dma_start3A] : memref<10240x8xf32, #tpu.memory_space<hbm>> -> memref<320x8xf32, #tpu.memory_space<hbm>>
      %dma_start3A_16 = arith.constant 0 : i32
      %dma_start3A_17 = tpu.memref_slice %arg7[%add3A, %dma_start3A_16] : memref<10241x8xf32, #tpu.memory_space<vmem_shared>> -> memref<320x8xf32, #tpu.memory_space<vmem_shared>>
      tpu.enqueue_dma source(%dma_start3A_17 : memref<320x8xf32, #tpu.memory_space<vmem_shared>>) target(%dma_start3A_15 : memref<320x8xf32, #tpu.memory_space<hbm>>) target_semaphore(%run_scoped3A : memref<!tpu.dma_semaphore, #tpu.memory_space<semaphore_mem>>)
      %dma_wait3A = arith.constant 0 : i32
      %dma_wait3A_18 = tpu.memref_slice %arg4[%add3A, %dma_wait3A] : memref<10240x8xf32, #tpu.memory_space<hbm>> -> memref<320x8xf32, #tpu.memory_space<hbm>>
      %dma_wait3A_19 = arith.constant 0 : i32
      %dma_wait3A_20 = tpu.memref_slice %arg7[%add3A, %dma_wait3A_19] : memref<10241x8xf32, #tpu.memory_space<vmem_shared>> -> memref<320x8xf32, #tpu.memory_space<vmem_shared>>
      tpu.wait_dma2 semaphore(%run_scoped3A : memref<!tpu.dma_semaphore, #tpu.memory_space<semaphore_mem>>) src(%dma_wait3A_20 : memref<320x8xf32, #tpu.memory_space<vmem_shared>>) dst(%dma_wait3A_18 : memref<320x8xf32, #tpu.memory_space<hbm>>)
      tpu.yield
    }) : () -> ()
    return
  }
}

#map = affine_map<(d0, d1) -> (0, 0)>
module attributes {stable_mosaic.version = 14 : i64} {
  func.func @prop_kernel(%arg0: i32, %arg1: i32, %arg2: memref<20480x128xf32, #tpu.memory_space<hbm>>, %arg3: memref<2560x128xi32, #tpu.memory_space<hbm>>, %arg4: memref<1280x128xi32, #tpu.memory_space<hbm>>, %arg5: memref<20480x128xf32, #tpu.memory_space<hbm>>, %arg6: memref<80x128xi32, #tpu.memory_space<vmem>>, %arg7: memref<80x128xi32, #tpu.memory_space<vmem>>, %arg8: memref<128x128xf32, #tpu.memory_space<vmem>>, %arg9: memref<10241x128xf32, #tpu.memory_space<vmem_shared>>, %arg10: memref<!tpu.dma_semaphore, #tpu.memory_space<semaphore_mem>>) attributes {dimension_semantics = [#tpu.dimension_semantics<core_parallel>, #tpu.dimension_semantics<subcore_parallel>], iteration_bounds = array<i64: 2, 16>, scalar_prefetch = 0 : i64, scratch_operands = 5 : i64, tpu.core_type = #tpu.core_type<sc_vector_subcore>, window_params = [{transform_indices = #map}, {transform_indices = #map}, {transform_indices = #map}, {transform_indices = #map}]} {
    %mul3A = arith.constant 640 : i32
    %mul3A_0 = arith.muli %arg1, %mul3A : i32
    %mul3A_1 = arith.constant 1280 : i32
    %mul3A_2 = arith.muli %arg1, %mul3A_1 : i32
    %mul3A_3 = arith.constant 640 : i32
    %mul3A_4 = arith.muli %arg0, %mul3A_3 : i32
    %add3A = arith.addi %mul3A_2, %mul3A_4 : i32
    "tpu.region"() ({
      %run_scoped3A = tpu.sem_alloc : memref<!tpu.dma_semaphore, #tpu.memory_space<semaphore_mem>>
      %dma_start3A = arith.constant 0 : i32
      %dma_start3A_16 = tpu.memref_slice %arg9[%mul3A_0, %dma_start3A] : memref<10241x128xf32, #tpu.memory_space<vmem_shared>> -> memref<640x128xf32, #tpu.memory_space<vmem_shared>>
      %dma_start3A_17 = arith.constant 0 : i32
      %dma_start3A_18 = tpu.memref_slice %arg2[%add3A, %dma_start3A_17] : memref<20480x128xf32, #tpu.memory_space<hbm>> -> memref<640x128xf32, #tpu.memory_space<hbm>>
      tpu.enqueue_dma source(%dma_start3A_18 : memref<640x128xf32, #tpu.memory_space<hbm>>) target(%dma_start3A_16 : memref<640x128xf32, #tpu.memory_space<vmem_shared>>) target_semaphore(%run_scoped3A : memref<!tpu.dma_semaphore, #tpu.memory_space<semaphore_mem>>)
      %dma_wait3A = arith.constant 0 : i32
      %dma_wait3A_19 = tpu.memref_slice %arg9[%mul3A_0, %dma_wait3A] : memref<10241x128xf32, #tpu.memory_space<vmem_shared>> -> memref<640x128xf32, #tpu.memory_space<vmem_shared>>
      %dma_wait3A_20 = arith.constant 0 : i32
      %dma_wait3A_21 = tpu.memref_slice %arg2[%add3A, %dma_wait3A_20] : memref<20480x128xf32, #tpu.memory_space<hbm>> -> memref<640x128xf32, #tpu.memory_space<hbm>>
      tpu.wait_dma2 semaphore(%run_scoped3A : memref<!tpu.dma_semaphore, #tpu.memory_space<semaphore_mem>>) src(%dma_wait3A_21 : memref<640x128xf32, #tpu.memory_space<hbm>>) dst(%dma_wait3A_19 : memref<640x128xf32, #tpu.memory_space<vmem_shared>>)
      tpu.yield
    }) : () -> ()
    %mul3A_5 = arith.constant 80 : i32
    %mul3A_6 = arith.muli %arg1, %mul3A_5 : i32
    %mul3A_7 = arith.constant 1280 : i32
    %mul3A_8 = arith.muli %arg0, %mul3A_7 : i32
    %add3A_9 = arith.addi %mul3A_8, %mul3A_6 : i32
    "tpu.region"() ({
      %run_scoped3A = tpu.sem_alloc : memref<!tpu.dma_semaphore, #tpu.memory_space<semaphore_mem>>
      %dma_start3A = arith.constant 0 : i32
      %dma_start3A_16 = tpu.memref_slice %arg3[%add3A_9, %dma_start3A] : memref<2560x128xi32, #tpu.memory_space<hbm>> -> memref<80x128xi32, #tpu.memory_space<hbm>>
      %dma_start3A_17 = arith.constant 0 : i32
      %dma_start3A_18 = tpu.memref_slice %arg3[%add3A_9, %dma_start3A_17] : memref<2560x128xi32, #tpu.memory_space<hbm>> -> memref<80x128xi32, #tpu.memory_space<hbm>>
      tpu.enqueue_dma source(%dma_start3A_18 : memref<80x128xi32, #tpu.memory_space<hbm>>) target(%arg6 : memref<80x128xi32, #tpu.memory_space<vmem>>) target_semaphore(%run_scoped3A : memref<!tpu.dma_semaphore, #tpu.memory_space<semaphore_mem>>)
      %dma_wait3A = arith.constant 0 : i32
      %dma_wait3A_19 = tpu.memref_slice %arg3[%add3A_9, %dma_wait3A] : memref<2560x128xi32, #tpu.memory_space<hbm>> -> memref<80x128xi32, #tpu.memory_space<hbm>>
      %dma_wait3A_20 = arith.constant 0 : i32
      %dma_wait3A_21 = tpu.memref_slice %arg3[%add3A_9, %dma_wait3A_20] : memref<2560x128xi32, #tpu.memory_space<hbm>> -> memref<80x128xi32, #tpu.memory_space<hbm>>
      tpu.wait_dma2 semaphore(%run_scoped3A : memref<!tpu.dma_semaphore, #tpu.memory_space<semaphore_mem>>) src(%dma_wait3A_21 : memref<80x128xi32, #tpu.memory_space<hbm>>) dst(%arg6 : memref<80x128xi32, #tpu.memory_space<vmem>>)
      tpu.yield
    }) : () -> ()
    "tpu.region"() ({
      %run_scoped3A = tpu.sem_alloc : memref<!tpu.dma_semaphore, #tpu.memory_space<semaphore_mem>>
      %dma_start3A = arith.constant 0 : i32
      %dma_start3A_16 = tpu.memref_slice %arg4[%mul3A_6, %dma_start3A] : memref<1280x128xi32, #tpu.memory_space<hbm>> -> memref<80x128xi32, #tpu.memory_space<hbm>>
      %dma_start3A_17 = arith.constant 0 : i32
      %dma_start3A_18 = tpu.memref_slice %arg4[%mul3A_6, %dma_start3A_17] : memref<1280x128xi32, #tpu.memory_space<hbm>> -> memref<80x128xi32, #tpu.memory_space<hbm>>
      tpu.enqueue_dma source(%dma_start3A_18 : memref<80x128xi32, #tpu.memory_space<hbm>>) target(%arg7 : memref<80x128xi32, #tpu.memory_space<vmem>>) target_semaphore(%run_scoped3A : memref<!tpu.dma_semaphore, #tpu.memory_space<semaphore_mem>>)
      %dma_wait3A = arith.constant 0 : i32
      %dma_wait3A_19 = tpu.memref_slice %arg4[%mul3A_6, %dma_wait3A] : memref<1280x128xi32, #tpu.memory_space<hbm>> -> memref<80x128xi32, #tpu.memory_space<hbm>>
      %dma_wait3A_20 = arith.constant 0 : i32
      %dma_wait3A_21 = tpu.memref_slice %arg4[%mul3A_6, %dma_wait3A_20] : memref<1280x128xi32, #tpu.memory_space<hbm>> -> memref<80x128xi32, #tpu.memory_space<hbm>>
      tpu.wait_dma2 semaphore(%run_scoped3A : memref<!tpu.dma_semaphore, #tpu.memory_space<semaphore_mem>>) src(%dma_wait3A_21 : memref<80x128xi32, #tpu.memory_space<hbm>>) dst(%arg7 : memref<80x128xi32, #tpu.memory_space<vmem>>)
      tpu.yield
    }) : () -> ()
    %barrier3A = arith.constant 0 : index
    tpu.barrier barrier_id(%barrier3A)
    %scan3A = arith.constant 0 : i32
    %scan3A_10 = arith.constant 0 : i32
    %scan3A_11 = arith.constant 80 : i32
    %scan3A_12 = arith.addi %scan3A_10, %scan3A_11 : i32
    %scan3A_13 = arith.constant 1 : i32
    scf.for %scan3A_16 = %scan3A_10 to %scan3A_12 step %scan3A_13  : i32 {
      %dma_start3A = arith.constant 0 : i32
      %dma_start3A_17 = tpu.memref_slice %arg6[%scan3A_16, %dma_start3A] : memref<80x128xi32, #tpu.memory_space<vmem>> -> memref<1x128xi32, #tpu.memory_space<vmem>>
      %dma_start3A_18 = tpu.memref_squeeze %dma_start3A_17 : memref<1x128xi32, #tpu.memory_space<vmem>> -> memref<128xi32, #tpu.memory_space<vmem>>
      %dma_start3A_19 = arith.constant 0 : i32
      %dma_start3A_20 = arith.constant 0 : i32
      %dma_start3A_21 = tpu.memref_slice %arg2[%dma_start3A_19, %dma_start3A_20] : memref<20480x128xf32, #tpu.memory_space<hbm>> -> memref<20480x128xf32, #tpu.memory_space<hbm>>
      tpu.enqueue_indirect_dma source(%dma_start3A_21 : memref<20480x128xf32, #tpu.memory_space<hbm>>) target(%arg8 : memref<128x128xf32, #tpu.memory_space<vmem>>) offsets(%dma_start3A_18 : memref<128xi32, #tpu.memory_space<vmem>>) semaphore(%arg10 : memref<!tpu.dma_semaphore, #tpu.memory_space<semaphore_mem>>)
      %dma_wait3A = arith.constant 0 : i32
      %dma_wait3A_22 = tpu.memref_slice %arg6[%scan3A_16, %dma_wait3A] : memref<80x128xi32, #tpu.memory_space<vmem>> -> memref<1x128xi32, #tpu.memory_space<vmem>>
      %dma_wait3A_23 = tpu.memref_squeeze %dma_wait3A_22 : memref<1x128xi32, #tpu.memory_space<vmem>> -> memref<128xi32, #tpu.memory_space<vmem>>
      %dma_wait3A_24 = arith.constant 0 : i32
      %dma_wait3A_25 = arith.constant 0 : i32
      %dma_wait3A_26 = tpu.memref_slice %arg2[%dma_wait3A_24, %dma_wait3A_25] : memref<20480x128xf32, #tpu.memory_space<hbm>> -> memref<20480x128xf32, #tpu.memory_space<hbm>>
      tpu.wait_indirect_dma semaphore(%arg10 : memref<!tpu.dma_semaphore, #tpu.memory_space<semaphore_mem>>) src(%dma_wait3A_26 : memref<20480x128xf32, #tpu.memory_space<hbm>>) dst(%arg8 : memref<128x128xf32, #tpu.memory_space<vmem>>)
      "tpu.region"() ({
        %run_scoped3A = tpu.sem_alloc : memref<!tpu.dma_semaphore, #tpu.memory_space<semaphore_mem>>
        %dma_start3A_27 = arith.constant 0 : i32
        %dma_start3A_28 = tpu.memref_slice %arg7[%scan3A_16, %dma_start3A_27] : memref<80x128xi32, #tpu.memory_space<vmem>> -> memref<1x128xi32, #tpu.memory_space<vmem>>
        %dma_start3A_29 = tpu.memref_squeeze %dma_start3A_28 : memref<1x128xi32, #tpu.memory_space<vmem>> -> memref<128xi32, #tpu.memory_space<vmem>>
        %dma_start3A_30 = arith.constant 0 : i32
        %dma_start3A_31 = arith.constant 0 : i32
        %dma_start3A_32 = tpu.memref_slice %arg9[%dma_start3A_30, %dma_start3A_31] : memref<10241x128xf32, #tpu.memory_space<vmem_shared>> -> memref<10241x128xf32, #tpu.memory_space<vmem_shared>>
        tpu.enqueue_indirect_dma source(%arg8 : memref<128x128xf32, #tpu.memory_space<vmem>>) target(%dma_start3A_32 : memref<10241x128xf32, #tpu.memory_space<vmem_shared>>) offsets(%dma_start3A_29 : memref<128xi32, #tpu.memory_space<vmem>>) semaphore(%run_scoped3A : memref<!tpu.dma_semaphore, #tpu.memory_space<semaphore_mem>>) {add = true}
        %dma_wait3A_33 = arith.constant 0 : i32
        %dma_wait3A_34 = tpu.memref_slice %arg7[%scan3A_16, %dma_wait3A_33] : memref<80x128xi32, #tpu.memory_space<vmem>> -> memref<1x128xi32, #tpu.memory_space<vmem>>
        %dma_wait3A_35 = tpu.memref_squeeze %dma_wait3A_34 : memref<1x128xi32, #tpu.memory_space<vmem>> -> memref<128xi32, #tpu.memory_space<vmem>>
        %dma_wait3A_36 = arith.constant 0 : i32
        %dma_wait3A_37 = arith.constant 0 : i32
        %dma_wait3A_38 = tpu.memref_slice %arg9[%dma_wait3A_36, %dma_wait3A_37] : memref<10241x128xf32, #tpu.memory_space<vmem_shared>> -> memref<10241x128xf32, #tpu.memory_space<vmem_shared>>
        tpu.wait_indirect_dma semaphore(%run_scoped3A : memref<!tpu.dma_semaphore, #tpu.memory_space<semaphore_mem>>) src(%arg8 : memref<128x128xf32, #tpu.memory_space<vmem>>) dst(%dma_wait3A_38 : memref<10241x128xf32, #tpu.memory_space<vmem_shared>>)
        tpu.yield
      }) : () -> ()
    }
    %scan3A_14 = arith.constant 80 : i32
    %barrier3A_15 = arith.constant 0 : index
    tpu.barrier barrier_id(%barrier3A_15)
    "tpu.region"() ({
      %run_scoped3A = tpu.sem_alloc : memref<!tpu.dma_semaphore, #tpu.memory_space<semaphore_mem>>
      %dma_start3A = arith.constant 0 : i32
      %dma_start3A_16 = tpu.memref_slice %arg5[%add3A, %dma_start3A] : memref<20480x128xf32, #tpu.memory_space<hbm>> -> memref<640x128xf32, #tpu.memory_space<hbm>>
      %dma_start3A_17 = arith.constant 0 : i32
      %dma_start3A_18 = tpu.memref_slice %arg9[%mul3A_0, %dma_start3A_17] : memref<10241x128xf32, #tpu.memory_space<vmem_shared>> -> memref<640x128xf32, #tpu.memory_space<vmem_shared>>
      tpu.enqueue_dma source(%dma_start3A_18 : memref<640x128xf32, #tpu.memory_space<vmem_shared>>) target(%dma_start3A_16 : memref<640x128xf32, #tpu.memory_space<hbm>>) target_semaphore(%run_scoped3A : memref<!tpu.dma_semaphore, #tpu.memory_space<semaphore_mem>>)
      %dma_wait3A = arith.constant 0 : i32
      %dma_wait3A_19 = tpu.memref_slice %arg5[%add3A, %dma_wait3A] : memref<20480x128xf32, #tpu.memory_space<hbm>> -> memref<640x128xf32, #tpu.memory_space<hbm>>
      %dma_wait3A_20 = arith.constant 0 : i32
      %dma_wait3A_21 = tpu.memref_slice %arg9[%mul3A_0, %dma_wait3A_20] : memref<10241x128xf32, #tpu.memory_space<vmem_shared>> -> memref<640x128xf32, #tpu.memory_space<vmem_shared>>
      tpu.wait_dma2 semaphore(%run_scoped3A : memref<!tpu.dma_semaphore, #tpu.memory_space<semaphore_mem>>) src(%dma_wait3A_21 : memref<640x128xf32, #tpu.memory_space<vmem_shared>>) dst(%dma_wait3A_19 : memref<640x128xf32, #tpu.memory_space<hbm>>)
      tpu.yield
    }) : () -> ()
    return
  }
}

#map = affine_map<(d0, d1) -> (0, 0)>
module attributes {stable_mosaic.version = 14 : i64} {
  func.func @prop_kernel(%arg0: i32, %arg1: i32, %arg2: memref<20480x128xf32, #tpu.memory_space<hbm>>, %arg3: memref<2560x128xi32, #tpu.memory_space<hbm>>, %arg4: memref<1280x128xi32, #tpu.memory_space<hbm>>, %arg5: memref<20480x128xf32, #tpu.memory_space<hbm>>, %arg6: memref<80x128xi32, #tpu.memory_space<vmem>>, %arg7: memref<80x128xi32, #tpu.memory_space<vmem>>, %arg8: memref<128x128xf32, #tpu.memory_space<vmem>>, %arg9: memref<10241x128xf32, #tpu.memory_space<vmem_shared>>, %arg10: memref<!tpu.dma_semaphore, #tpu.memory_space<semaphore_mem>>) attributes {dimension_semantics = [#tpu.dimension_semantics<core_parallel>, #tpu.dimension_semantics<subcore_parallel>], iteration_bounds = array<i64: 2, 16>, scalar_prefetch = 0 : i64, scratch_operands = 5 : i64, tpu.core_type = #tpu.core_type<sc_vector_subcore>, window_params = [{transform_indices = #map}, {transform_indices = #map}, {transform_indices = #map}, {transform_indices = #map}]} {
    %mul3A = arith.constant 640 : i32
    %mul3A_0 = arith.muli %arg1, %mul3A : i32
    %mul3A_1 = arith.constant 1280 : i32
    %mul3A_2 = arith.muli %arg1, %mul3A_1 : i32
    %mul3A_3 = arith.constant 640 : i32
    %mul3A_4 = arith.muli %arg0, %mul3A_3 : i32
    %add3A = arith.addi %mul3A_2, %mul3A_4 : i32
    "tpu.region"() ({
      %run_scoped3A = tpu.sem_alloc : memref<!tpu.dma_semaphore, #tpu.memory_space<semaphore_mem>>
      %dma_start3A = arith.constant 0 : i32
      %dma_start3A_16 = tpu.memref_slice %arg9[%mul3A_0, %dma_start3A] : memref<10241x128xf32, #tpu.memory_space<vmem_shared>> -> memref<640x128xf32, #tpu.memory_space<vmem_shared>>
      %dma_start3A_17 = arith.constant 0 : i32
      %dma_start3A_18 = tpu.memref_slice %arg2[%add3A, %dma_start3A_17] : memref<20480x128xf32, #tpu.memory_space<hbm>> -> memref<640x128xf32, #tpu.memory_space<hbm>>
      tpu.enqueue_dma source(%dma_start3A_18 : memref<640x128xf32, #tpu.memory_space<hbm>>) target(%dma_start3A_16 : memref<640x128xf32, #tpu.memory_space<vmem_shared>>) target_semaphore(%run_scoped3A : memref<!tpu.dma_semaphore, #tpu.memory_space<semaphore_mem>>)
      %dma_wait3A = arith.constant 0 : i32
      %dma_wait3A_19 = tpu.memref_slice %arg9[%mul3A_0, %dma_wait3A] : memref<10241x128xf32, #tpu.memory_space<vmem_shared>> -> memref<640x128xf32, #tpu.memory_space<vmem_shared>>
      %dma_wait3A_20 = arith.constant 0 : i32
      %dma_wait3A_21 = tpu.memref_slice %arg2[%add3A, %dma_wait3A_20] : memref<20480x128xf32, #tpu.memory_space<hbm>> -> memref<640x128xf32, #tpu.memory_space<hbm>>
      tpu.wait_dma2 semaphore(%run_scoped3A : memref<!tpu.dma_semaphore, #tpu.memory_space<semaphore_mem>>) src(%dma_wait3A_21 : memref<640x128xf32, #tpu.memory_space<hbm>>) dst(%dma_wait3A_19 : memref<640x128xf32, #tpu.memory_space<vmem_shared>>)
      tpu.yield
    }) : () -> ()
    %mul3A_5 = arith.constant 80 : i32
    %mul3A_6 = arith.muli %arg1, %mul3A_5 : i32
    %mul3A_7 = arith.constant 1280 : i32
    %mul3A_8 = arith.muli %arg0, %mul3A_7 : i32
    %add3A_9 = arith.addi %mul3A_8, %mul3A_6 : i32
    "tpu.region"() ({
      %run_scoped3A = tpu.sem_alloc : memref<!tpu.dma_semaphore, #tpu.memory_space<semaphore_mem>>
      %dma_start3A = arith.constant 0 : i32
      %dma_start3A_16 = tpu.memref_slice %arg3[%add3A_9, %dma_start3A] : memref<2560x128xi32, #tpu.memory_space<hbm>> -> memref<80x128xi32, #tpu.memory_space<hbm>>
      %dma_start3A_17 = arith.constant 0 : i32
      %dma_start3A_18 = tpu.memref_slice %arg3[%add3A_9, %dma_start3A_17] : memref<2560x128xi32, #tpu.memory_space<hbm>> -> memref<80x128xi32, #tpu.memory_space<hbm>>
      tpu.enqueue_dma source(%dma_start3A_18 : memref<80x128xi32, #tpu.memory_space<hbm>>) target(%arg6 : memref<80x128xi32, #tpu.memory_space<vmem>>) target_semaphore(%run_scoped3A : memref<!tpu.dma_semaphore, #tpu.memory_space<semaphore_mem>>)
      %dma_wait3A = arith.constant 0 : i32
      %dma_wait3A_19 = tpu.memref_slice %arg3[%add3A_9, %dma_wait3A] : memref<2560x128xi32, #tpu.memory_space<hbm>> -> memref<80x128xi32, #tpu.memory_space<hbm>>
      %dma_wait3A_20 = arith.constant 0 : i32
      %dma_wait3A_21 = tpu.memref_slice %arg3[%add3A_9, %dma_wait3A_20] : memref<2560x128xi32, #tpu.memory_space<hbm>> -> memref<80x128xi32, #tpu.memory_space<hbm>>
      tpu.wait_dma2 semaphore(%run_scoped3A : memref<!tpu.dma_semaphore, #tpu.memory_space<semaphore_mem>>) src(%dma_wait3A_21 : memref<80x128xi32, #tpu.memory_space<hbm>>) dst(%arg6 : memref<80x128xi32, #tpu.memory_space<vmem>>)
      tpu.yield
    }) : () -> ()
    "tpu.region"() ({
      %run_scoped3A = tpu.sem_alloc : memref<!tpu.dma_semaphore, #tpu.memory_space<semaphore_mem>>
      %dma_start3A = arith.constant 0 : i32
      %dma_start3A_16 = tpu.memref_slice %arg4[%mul3A_6, %dma_start3A] : memref<1280x128xi32, #tpu.memory_space<hbm>> -> memref<80x128xi32, #tpu.memory_space<hbm>>
      %dma_start3A_17 = arith.constant 0 : i32
      %dma_start3A_18 = tpu.memref_slice %arg4[%mul3A_6, %dma_start3A_17] : memref<1280x128xi32, #tpu.memory_space<hbm>> -> memref<80x128xi32, #tpu.memory_space<hbm>>
      tpu.enqueue_dma source(%dma_start3A_18 : memref<80x128xi32, #tpu.memory_space<hbm>>) target(%arg7 : memref<80x128xi32, #tpu.memory_space<vmem>>) target_semaphore(%run_scoped3A : memref<!tpu.dma_semaphore, #tpu.memory_space<semaphore_mem>>)
      %dma_wait3A = arith.constant 0 : i32
      %dma_wait3A_19 = tpu.memref_slice %arg4[%mul3A_6, %dma_wait3A] : memref<1280x128xi32, #tpu.memory_space<hbm>> -> memref<80x128xi32, #tpu.memory_space<hbm>>
      %dma_wait3A_20 = arith.constant 0 : i32
      %dma_wait3A_21 = tpu.memref_slice %arg4[%mul3A_6, %dma_wait3A_20] : memref<1280x128xi32, #tpu.memory_space<hbm>> -> memref<80x128xi32, #tpu.memory_space<hbm>>
      tpu.wait_dma2 semaphore(%run_scoped3A : memref<!tpu.dma_semaphore, #tpu.memory_space<semaphore_mem>>) src(%dma_wait3A_21 : memref<80x128xi32, #tpu.memory_space<hbm>>) dst(%arg7 : memref<80x128xi32, #tpu.memory_space<vmem>>)
      tpu.yield
    }) : () -> ()
    %barrier3A = arith.constant 0 : index
    tpu.barrier barrier_id(%barrier3A)
    %scan3A = arith.constant 0 : i32
    %scan3A_10 = arith.constant 0 : i32
    %scan3A_11 = arith.constant 80 : i32
    %scan3A_12 = arith.addi %scan3A_10, %scan3A_11 : i32
    %scan3A_13 = arith.constant 1 : i32
    scf.for %scan3A_16 = %scan3A_10 to %scan3A_12 step %scan3A_13  : i32 {
      %dma_start3A = arith.constant 0 : i32
      %dma_start3A_17 = tpu.memref_slice %arg6[%scan3A_16, %dma_start3A] : memref<80x128xi32, #tpu.memory_space<vmem>> -> memref<1x128xi32, #tpu.memory_space<vmem>>
      %dma_start3A_18 = tpu.memref_squeeze %dma_start3A_17 : memref<1x128xi32, #tpu.memory_space<vmem>> -> memref<128xi32, #tpu.memory_space<vmem>>
      %dma_start3A_19 = arith.constant 0 : i32
      %dma_start3A_20 = arith.constant 0 : i32
      %dma_start3A_21 = tpu.memref_slice %arg2[%dma_start3A_19, %dma_start3A_20] : memref<20480x128xf32, #tpu.memory_space<hbm>> -> memref<20480x128xf32, #tpu.memory_space<hbm>>
      tpu.enqueue_indirect_dma source(%dma_start3A_21 : memref<20480x128xf32, #tpu.memory_space<hbm>>) target(%arg8 : memref<128x128xf32, #tpu.memory_space<vmem>>) offsets(%dma_start3A_18 : memref<128xi32, #tpu.memory_space<vmem>>) semaphore(%arg10 : memref<!tpu.dma_semaphore, #tpu.memory_space<semaphore_mem>>)
      %dma_wait3A = arith.constant 0 : i32
      %dma_wait3A_22 = tpu.memref_slice %arg6[%scan3A_16, %dma_wait3A] : memref<80x128xi32, #tpu.memory_space<vmem>> -> memref<1x128xi32, #tpu.memory_space<vmem>>
      %dma_wait3A_23 = tpu.memref_squeeze %dma_wait3A_22 : memref<1x128xi32, #tpu.memory_space<vmem>> -> memref<128xi32, #tpu.memory_space<vmem>>
      %dma_wait3A_24 = arith.constant 0 : i32
      %dma_wait3A_25 = arith.constant 0 : i32
      %dma_wait3A_26 = tpu.memref_slice %arg2[%dma_wait3A_24, %dma_wait3A_25] : memref<20480x128xf32, #tpu.memory_space<hbm>> -> memref<20480x128xf32, #tpu.memory_space<hbm>>
      tpu.wait_indirect_dma semaphore(%arg10 : memref<!tpu.dma_semaphore, #tpu.memory_space<semaphore_mem>>) src(%dma_wait3A_26 : memref<20480x128xf32, #tpu.memory_space<hbm>>) dst(%arg8 : memref<128x128xf32, #tpu.memory_space<vmem>>)
      "tpu.region"() ({
        %run_scoped3A = tpu.sem_alloc : memref<!tpu.dma_semaphore, #tpu.memory_space<semaphore_mem>>
        %dma_start3A_27 = arith.constant 0 : i32
        %dma_start3A_28 = tpu.memref_slice %arg7[%scan3A_16, %dma_start3A_27] : memref<80x128xi32, #tpu.memory_space<vmem>> -> memref<1x128xi32, #tpu.memory_space<vmem>>
        %dma_start3A_29 = tpu.memref_squeeze %dma_start3A_28 : memref<1x128xi32, #tpu.memory_space<vmem>> -> memref<128xi32, #tpu.memory_space<vmem>>
        %dma_start3A_30 = arith.constant 0 : i32
        %dma_start3A_31 = arith.constant 0 : i32
        %dma_start3A_32 = tpu.memref_slice %arg9[%dma_start3A_30, %dma_start3A_31] : memref<10241x128xf32, #tpu.memory_space<vmem_shared>> -> memref<10241x128xf32, #tpu.memory_space<vmem_shared>>
        tpu.enqueue_indirect_dma source(%arg8 : memref<128x128xf32, #tpu.memory_space<vmem>>) target(%dma_start3A_32 : memref<10241x128xf32, #tpu.memory_space<vmem_shared>>) offsets(%dma_start3A_29 : memref<128xi32, #tpu.memory_space<vmem>>) semaphore(%run_scoped3A : memref<!tpu.dma_semaphore, #tpu.memory_space<semaphore_mem>>) {add = true}
        %dma_wait3A_33 = arith.constant 0 : i32
        %dma_wait3A_34 = tpu.memref_slice %arg7[%scan3A_16, %dma_wait3A_33] : memref<80x128xi32, #tpu.memory_space<vmem>> -> memref<1x128xi32, #tpu.memory_space<vmem>>
        %dma_wait3A_35 = tpu.memref_squeeze %dma_wait3A_34 : memref<1x128xi32, #tpu.memory_space<vmem>> -> memref<128xi32, #tpu.memory_space<vmem>>
        %dma_wait3A_36 = arith.constant 0 : i32
        %dma_wait3A_37 = arith.constant 0 : i32
        %dma_wait3A_38 = tpu.memref_slice %arg9[%dma_wait3A_36, %dma_wait3A_37] : memref<10241x128xf32, #tpu.memory_space<vmem_shared>> -> memref<10241x128xf32, #tpu.memory_space<vmem_shared>>
        tpu.wait_indirect_dma semaphore(%run_scoped3A : memref<!tpu.dma_semaphore, #tpu.memory_space<semaphore_mem>>) src(%arg8 : memref<128x128xf32, #tpu.memory_space<vmem>>) dst(%dma_wait3A_38 : memref<10241x128xf32, #tpu.memory_space<vmem_shared>>)
        tpu.yield
      }) : () -> ()
    }
    %scan3A_14 = arith.constant 80 : i32
    %barrier3A_15 = arith.constant 0 : index
    tpu.barrier barrier_id(%barrier3A_15)
    "tpu.region"() ({
      %run_scoped3A = tpu.sem_alloc : memref<!tpu.dma_semaphore, #tpu.memory_space<semaphore_mem>>
      %dma_start3A = arith.constant 0 : i32
      %dma_start3A_16 = tpu.memref_slice %arg5[%add3A, %dma_start3A] : memref<20480x128xf32, #tpu.memory_space<hbm>> -> memref<640x128xf32, #tpu.memory_space<hbm>>
      %dma_start3A_17 = arith.constant 0 : i32
      %dma_start3A_18 = tpu.memref_slice %arg9[%mul3A_0, %dma_start3A_17] : memref<10241x128xf32, #tpu.memory_space<vmem_shared>> -> memref<640x128xf32, #tpu.memory_space<vmem_shared>>
      tpu.enqueue_dma source(%dma_start3A_18 : memref<640x128xf32, #tpu.memory_space<vmem_shared>>) target(%dma_start3A_16 : memref<640x128xf32, #tpu.memory_space<hbm>>) target_semaphore(%run_scoped3A : memref<!tpu.dma_semaphore, #tpu.memory_space<semaphore_mem>>)
      %dma_wait3A = arith.constant 0 : i32
      %dma_wait3A_19 = tpu.memref_slice %arg5[%add3A, %dma_wait3A] : memref<20480x128xf32, #tpu.memory_space<hbm>> -> memref<640x128xf32, #tpu.memory_space<hbm>>
      %dma_wait3A_20 = arith.constant 0 : i32
      %dma_wait3A_21 = tpu.memref_slice %arg9[%mul3A_0, %dma_wait3A_20] : memref<10241x128xf32, #tpu.memory_space<vmem_shared>> -> memref<640x128xf32, #tpu.memory_space<vmem_shared>>
      tpu.wait_dma2 semaphore(%run_scoped3A : memref<!tpu.dma_semaphore, #tpu.memory_space<semaphore_mem>>) src(%dma_wait3A_21 : memref<640x128xf32, #tpu.memory_space<vmem_shared>>) dst(%dma_wait3A_19 : memref<640x128xf32, #tpu.memory_space<hbm>>)
      tpu.yield
    }) : () -> ()
    return
  }
}

module attributes {stable_mosaic.version = 14 : i64} {
  func.func @body(%arg0: i32, %arg1: memref<640x8xf32, #tpu.memory_space<vmem>>, %arg2: memref<640x256xf32, #tpu.memory_space<vmem>>, %arg3: memref<1280x128xf32, #tpu.memory_space<vmem>>) attributes {dimension_semantics = [#tpu.dimension_semantics<arbitrary>], iteration_bounds = array<i64: 16>, scalar_prefetch = 0 : i64, scratch_operands = 0 : i64, tpu.core_type = #tpu.core_type<tc>, window_params = [{transform_indices = @transform_0, window_bounds = array<i64: 640, 8>}, {transform_indices = @transform_1, window_bounds = array<i64: 640, 256>}, {transform_indices = @transform_2, window_bounds = array<i64: 1280, 128>}]} {
    %get3A = arith.constant 0 : index
    %get3A_0 = arith.constant 0 : index
    %get3A_1 = vector.load %arg1[%get3A, %get3A_0] : memref<640x8xf32, #tpu.memory_space<vmem>>, vector<640x1xf32>
    %rsqrt3A = math.rsqrt %get3A_1 : vector<640x1xf32>
    %get3A_2 = arith.constant 0 : index
    %get3A_3 = arith.constant 0 : index
    %get3A_4 = vector.load %arg2[%get3A_2, %get3A_3] : memref<640x256xf32, #tpu.memory_space<vmem>>, vector<640x256xf32>
    %mul3A = vector.broadcast %rsqrt3A : vector<640x1xf32> to vector<640x256xf32>
    %mul3A_5 = arith.mulf %get3A_4, %mul3A : vector<640x256xf32>
    %slice3A = vector.extract_strided_slice %mul3A_5 {offsets = [0, 0], sizes = [640, 128], strides = [1, 1]} : vector<640x256xf32> to vector<640x128xf32>
    %slice3A_6 = vector.extract_strided_slice %mul3A_5 {offsets = [0, 128], sizes = [640, 128], strides = [1, 1]} : vector<640x256xf32> to vector<640x128xf32>
    %concatenate3A = tpu.concatenate %slice3A, %slice3A_6 in 0 : vector<640x128xf32>, vector<640x128xf32> -> vector<1280x128xf32>
    %swap3A = arith.constant 0 : index
    %swap3A_7 = arith.constant 0 : index
    %swap3A_8 = vector.load %arg3[%swap3A, %swap3A_7] : memref<1280x128xf32, #tpu.memory_space<vmem>>, vector<1280x128xf32>
    tpu.vector_store %arg3[%swap3A, %swap3A_7], %concatenate3A {strides = array<i32>} : memref<1280x128xf32, #tpu.memory_space<vmem>>, vector<1280x128xf32>,
    return
  }
  func.func @transform_0(%arg0: i32) -> (i32, i32) {
    %c0_i32 = arith.constant 0 : i32
    %c0_i32_0 = arith.constant 0 : i32
    return %arg0, %c0_i32 : i32, i32
  }
  func.func @transform_1(%arg0: i32) -> (i32, i32) {
    %c0_i32 = arith.constant 0 : i32
    %c0_i32_0 = arith.constant 0 : i32
    return %arg0, %c0_i32 : i32, i32
  }
  func.func @transform_2(%arg0: i32) -> (i32, i32) {
    %c0_i32 = arith.constant 0 : i32
    %c0_i32_0 = arith.constant 0 : i32
    return %arg0, %c0_i32 : i32, i32
  }
}

module attributes {stable_mosaic.version = 14 : i64} {
  func.func @body(%arg0: i32, %arg1: memref<640x8xf32, #tpu.memory_space<vmem>>, %arg2: memref<640x128xf32, #tpu.memory_space<vmem>>, %arg3: memref<640x128xf32, #tpu.memory_space<vmem>>, %arg4: memref<256x256xf32, #tpu.memory_space<vmem>>, %arg5: memref<1x256xf32, #tpu.memory_space<vmem>>, %arg6: memref<1280x128xf32, #tpu.memory_space<vmem>>) attributes {dimension_semantics = [#tpu.dimension_semantics<arbitrary>], iteration_bounds = array<i64: 16>, scalar_prefetch = 0 : i64, scratch_operands = 0 : i64, tpu.core_type = #tpu.core_type<tc>, window_params = [{transform_indices = @transform_0, window_bounds = array<i64: 640, 8>}, {transform_indices = @transform_1, window_bounds = array<i64: 640, 128>}, {transform_indices = @transform_2, window_bounds = array<i64: 640, 128>}, {pipeline_mode = #tpu.pipeline_mode<synchronous>, transform_indices = @transform_3, window_bounds = array<i64: 256, 256>}, {pipeline_mode = #tpu.pipeline_mode<synchronous>, transform_indices = @transform_4, window_bounds = array<i64: 1, 256>}, {transform_indices = @transform_5, window_bounds = array<i64: 1280, 128>}]} {
    %get3A = arith.constant 0 : index
    %get3A_0 = arith.constant 0 : index
    %get3A_1 = vector.load %arg1[%get3A, %get3A_0] : memref<640x8xf32, #tpu.memory_space<vmem>>, vector<640x1xf32>
    %rsqrt3A = math.rsqrt %get3A_1 : vector<640x1xf32>
    %get3A_2 = arith.constant 0 : index
    %get3A_3 = arith.constant 0 : index
    %get3A_4 = vector.load %arg2[%get3A_2, %get3A_3] : memref<640x128xf32, #tpu.memory_space<vmem>>, vector<640x128xf32>
    %get3A_5 = arith.constant 0 : index
    %get3A_6 = arith.constant 0 : index
    %get3A_7 = vector.load %arg3[%get3A_5, %get3A_6] : memref<640x128xf32, #tpu.memory_space<vmem>>, vector<640x128xf32>
    %concatenate3A = tpu.concatenate %get3A_4, %get3A_7 in 1 : vector<640x128xf32>, vector<640x128xf32> -> vector<640x256xf32>
    %mul3A = vector.broadcast %rsqrt3A : vector<640x1xf32> to vector<640x256xf32>
    %mul3A_8 = arith.mulf %concatenate3A, %mul3A : vector<640x256xf32>
    %get3A_9 = arith.constant 0 : index
    %get3A_10 = arith.constant 0 : index
    %get3A_11 = vector.load %arg4[%get3A_9, %get3A_10] : memref<256x256xf32, #tpu.memory_space<vmem>>, vector<256x256xf32>
    %dot_general3A = arith.constant dense<0.000000e+00> : vector<640x256xf32>
    %dot_general3A_12 = tpu.matmul %mul3A_8, %get3A_11, %dot_general3A {dimension_numbers = #tpu.dot_dimension_numbers<[1], [0], [0], [1], [0, 0, 1, 1], [], []>, transpose_lhs_hint = false} : vector<640x256xf32>, vector<256x256xf32>, vector<640x256xf32> -> vector<640x256xf32>
    %get3A_13 = arith.constant 0 : index
    %get3A_14 = arith.constant 0 : index
    %get3A_15 = vector.load %arg5[%get3A_13, %get3A_14] : memref<1x256xf32, #tpu.memory_space<vmem>>, vector<1x256xf32>
    %add3A = vector.broadcast %get3A_15 : vector<1x256xf32> to vector<640x256xf32>
    %add3A_16 = arith.addf %dot_general3A_12, %add3A : vector<640x256xf32>
    %max3A = arith.constant 0.000000e+00 : f32
    %max3A_17 = vector.broadcast %max3A : f32 to vector<640x256xf32>
    %max3A_18 = arith.maximumf %add3A_16, %max3A_17 : vector<640x256xf32>
    %mul3A_19 = vector.broadcast %rsqrt3A : vector<640x1xf32> to vector<640x256xf32>
    %mul3A_20 = arith.mulf %max3A_18, %mul3A_19 : vector<640x256xf32>
    %slice3A = vector.extract_strided_slice %mul3A_20 {offsets = [0, 0], sizes = [640, 128], strides = [1, 1]} : vector<640x256xf32> to vector<640x128xf32>
    %slice3A_21 = vector.extract_strided_slice %mul3A_20 {offsets = [0, 128], sizes = [640, 128], strides = [1, 1]} : vector<640x256xf32> to vector<640x128xf32>
    %concatenate3A_22 = tpu.concatenate %slice3A, %slice3A_21 in 0 : vector<640x128xf32>, vector<640x128xf32> -> vector<1280x128xf32>
    %swap3A = arith.constant 0 : index
    %swap3A_23 = arith.constant 0 : index
    %swap3A_24 = vector.load %arg6[%swap3A, %swap3A_23] : memref<1280x128xf32, #tpu.memory_space<vmem>>, vector<1280x128xf32>
    tpu.vector_store %arg6[%swap3A, %swap3A_23], %concatenate3A_22 {strides = array<i32>} : memref<1280x128xf32, #tpu.memory_space<vmem>>, vector<1280x128xf32>,
    return
  }
  func.func @transform_0(%arg0: i32) -> (i32, i32) {
    %c0_i32 = arith.constant 0 : i32
    %c0_i32_0 = arith.constant 0 : i32
    return %arg0, %c0_i32 : i32, i32
  }
  func.func @transform_1(%arg0: i32) -> (i32, i32) {
    %mul3A = arith.constant 2 : i32
    %mul3A_0 = arith.muli %mul3A, %arg0 : i32
    %c0_i32 = arith.constant 0 : i32
    %c0_i32_1 = arith.constant 0 : i32
    return %mul3A_0, %c0_i32 : i32, i32
  }
  func.func @transform_2(%arg0: i32) -> (i32, i32) {
    %mul3A = arith.constant 2 : i32
    %mul3A_0 = arith.muli %mul3A, %arg0 : i32
    %add3A = arith.constant 1 : i32
    %add3A_1 = arith.addi %mul3A_0, %add3A : i32
    %c0_i32 = arith.constant 0 : i32
    %c0_i32_2 = arith.constant 0 : i32
    return %add3A_1, %c0_i32 : i32, i32
  }
  func.func @transform_3(%arg0: i32) -> (i32, i32) {
    %c0_i32 = arith.constant 0 : i32
    %c0_i32_0 = arith.constant 0 : i32
    %c0_i32_1 = arith.constant 0 : i32
    return %c0_i32, %c0_i32_0 : i32, i32
  }
  func.func @transform_4(%arg0: i32) -> (i32, i32) {
    %c0_i32 = arith.constant 0 : i32
    %c0_i32_0 = arith.constant 0 : i32
    %c0_i32_1 = arith.constant 0 : i32
    return %c0_i32, %c0_i32_0 : i32, i32
  }
  func.func @transform_5(%arg0: i32) -> (i32, i32) {
    %c0_i32 = arith.constant 0 : i32
    %c0_i32_0 = arith.constant 0 : i32
    return %arg0, %c0_i32 : i32, i32
  }
}

module attributes {stable_mosaic.version = 14 : i64} {
  func.func @body(%arg0: i32, %arg1: memref<640x8xf32, #tpu.memory_space<vmem>>, %arg2: memref<640x128xf32, #tpu.memory_space<vmem>>, %arg3: memref<640x128xf32, #tpu.memory_space<vmem>>, %arg4: memref<256x500xf32, #tpu.memory_space<vmem>>, %arg5: memref<1x500xf32, #tpu.memory_space<vmem>>, %arg6: memref<640x500xf32, #tpu.memory_space<vmem>>) attributes {dimension_semantics = [#tpu.dimension_semantics<arbitrary>], iteration_bounds = array<i64: 16>, scalar_prefetch = 0 : i64, scratch_operands = 0 : i64, tpu.core_type = #tpu.core_type<tc>, window_params = [{transform_indices = @transform_0, window_bounds = array<i64: 640, 8>}, {transform_indices = @transform_1, window_bounds = array<i64: 640, 128>}, {transform_indices = @transform_2, window_bounds = array<i64: 640, 128>}, {pipeline_mode = #tpu.pipeline_mode<synchronous>, transform_indices = @transform_3, window_bounds = array<i64: 256, 500>}, {pipeline_mode = #tpu.pipeline_mode<synchronous>, transform_indices = @transform_4, window_bounds = array<i64: 1, 500>}, {transform_indices = @transform_5, window_bounds = array<i64: 640, 500>}]} {
    %get3A = arith.constant 0 : index
    %get3A_0 = arith.constant 0 : index
    %get3A_1 = vector.load %arg1[%get3A, %get3A_0] : memref<640x8xf32, #tpu.memory_space<vmem>>, vector<640x1xf32>
    %rsqrt3A = math.rsqrt %get3A_1 : vector<640x1xf32>
    %get3A_2 = arith.constant 0 : index
    %get3A_3 = arith.constant 0 : index
    %get3A_4 = vector.load %arg2[%get3A_2, %get3A_3] : memref<640x128xf32, #tpu.memory_space<vmem>>, vector<640x128xf32>
    %get3A_5 = arith.constant 0 : index
    %get3A_6 = arith.constant 0 : index
    %get3A_7 = vector.load %arg3[%get3A_5, %get3A_6] : memref<640x128xf32, #tpu.memory_space<vmem>>, vector<640x128xf32>
    %concatenate3A = tpu.concatenate %get3A_4, %get3A_7 in 1 : vector<640x128xf32>, vector<640x128xf32> -> vector<640x256xf32>
    %mul3A = vector.broadcast %rsqrt3A : vector<640x1xf32> to vector<640x256xf32>
    %mul3A_8 = arith.mulf %concatenate3A, %mul3A : vector<640x256xf32>
    %get3A_9 = arith.constant 0 : index
    %get3A_10 = arith.constant 0 : index
    %get3A_11 = vector.load %arg4[%get3A_9, %get3A_10] : memref<256x500xf32, #tpu.memory_space<vmem>>, vector<256x500xf32>
    %dot_general3A = arith.constant dense<0.000000e+00> : vector<640x500xf32>
    %dot_general3A_12 = tpu.matmul %mul3A_8, %get3A_11, %dot_general3A {dimension_numbers = #tpu.dot_dimension_numbers<[1], [0], [0], [1], [0, 0, 1, 1], [], []>, transpose_lhs_hint = false} : vector<640x256xf32>, vector<256x500xf32>, vector<640x500xf32> -> vector<640x500xf32>
    %get3A_13 = arith.constant 0 : index
    %get3A_14 = arith.constant 0 : index
    %get3A_15 = vector.load %arg5[%get3A_13, %get3A_14] : memref<1x500xf32, #tpu.memory_space<vmem>>, vector<1x500xf32>
    %add3A = vector.broadcast %get3A_15 : vector<1x500xf32> to vector<640x500xf32>
    %add3A_16 = arith.addf %dot_general3A_12, %add3A : vector<640x500xf32>
    %max3A = arith.constant 0.000000e+00 : f32
    %max3A_17 = vector.broadcast %max3A : f32 to vector<640x500xf32>
    %max3A_18 = arith.maximumf %add3A_16, %max3A_17 : vector<640x500xf32>
    %swap3A = arith.constant 0 : index
    %swap3A_19 = arith.constant 0 : index
    %swap3A_20 = vector.load %arg6[%swap3A, %swap3A_19] : memref<640x500xf32, #tpu.memory_space<vmem>>, vector<640x500xf32>
    tpu.vector_store %arg6[%swap3A, %swap3A_19], %max3A_18 {strides = array<i32>} : memref<640x500xf32, #tpu.memory_space<vmem>>, vector<640x500xf32>,
    return
  }
  func.func @transform_0(%arg0: i32) -> (i32, i32) {
    %c0_i32 = arith.constant 0 : i32
    %c0_i32_0 = arith.constant 0 : i32
    return %arg0, %c0_i32 : i32, i32
  }
  func.func @transform_1(%arg0: i32) -> (i32, i32) {
    %mul3A = arith.constant 2 : i32
    %mul3A_0 = arith.muli %mul3A, %arg0 : i32
    %c0_i32 = arith.constant 0 : i32
    %c0_i32_1 = arith.constant 0 : i32
    return %mul3A_0, %c0_i32 : i32, i32
  }
  func.func @transform_2(%arg0: i32) -> (i32, i32) {
    %mul3A = arith.constant 2 : i32
    %mul3A_0 = arith.muli %mul3A, %arg0 : i32
    %add3A = arith.constant 1 : i32
    %add3A_1 = arith.addi %mul3A_0, %add3A : i32
    %c0_i32 = arith.constant 0 : i32
    %c0_i32_2 = arith.constant 0 : i32
    return %add3A_1, %c0_i32 : i32, i32
  }
  func.func @transform_3(%arg0: i32) -> (i32, i32) {
    %c0_i32 = arith.constant 0 : i32
    %c0_i32_0 = arith.constant 0 : i32
    %c0_i32_1 = arith.constant 0 : i32
    return %c0_i32, %c0_i32_0 : i32, i32
  }
  func.func @transform_4(%arg0: i32) -> (i32, i32) {
    %c0_i32 = arith.constant 0 : i32
    %c0_i32_0 = arith.constant 0 : i32
    %c0_i32_1 = arith.constant 0 : i32
    return %c0_i32, %c0_i32_0 : i32, i32
  }
  func.func @transform_5(%arg0: i32) -> (i32, i32) {
    %c0_i32 = arith.constant 0 : i32
    %c0_i32_0 = arith.constant 0 : i32
    return %arg0, %c0_i32 : i32, i32
  }
}

</mosaic_0001>

<sc_bundles>
// kernel: kernel.11.cloned.1.call-start
scs
__scs_entry_jumppad:
0x0: {  	(pc) =	sbr.rel $0x88, $3  }
0x1: {  	(tag) =	ssettag $0x0;
	lr =	simm.s32 $0x1  }
0x2: {  	[smem:$0x3F9B] =	sst lr;
	_ =	strace $0xD0000000  }
0x3: {  	_ = 	snop  }
0x4: {  	_ = 	snop  }
0x5: {  	_ = 	snop  }
0x6: {  	_ = 	snop  }
0x7: {  	_ = 	snop  }
__scs_overlays_trampoline_lowered:
0x8: {  	[smem:$0x3FAA] =	sst s0  }
0x9: {  	[smem:$0x3FAB] =	sst s1  }
0xa: {  	[smem:$0x3FAC] =	sst s2  }
0xb: {  	[smem:$0x3FAD] =	sst s3  }
0xc: {  	[smem:$0x3FAE] =	sst s4  }
0xd: {  	[smem:$0x3FAF] =	sst s5  }
0xe: {  	[smem:$0x3FB0] =	sst s6  }
0xf: {  	[smem:$0x3FB1] =	sst s7  }
0x10: {  	[smem:$0x3FB2] =	sst s8  }
0x11: {  	[smem:$0x3FB3] =	sst s9;
	s0 =	simm.s32 @!p0 $0x0  }
0x12: {  	s1 =	sld [smem:$0x3F99];
	s0 =	simm.s32 @p0 $0x1  }
0x13: {  	[smem:$0x3FB4] =	sst s0;
	s0 =	simm.s32 @!p1 $0x0  }
0x14: {  	s2 =	sld [smem:$0x3F98];
	s0 =	simm.s32 @p1 $0x1  }
0x15: {  	[smem:$0x3FB5] =	sst s0;
	s0 =	simm.s32 @!p2 $0x0  }
0x16: {  	s3 =	sld [smem:$0x3FDB];
	s0 =	simm.s32 @p2 $0x1  }
0x17: {  	s4 =	simm.s32 $0x1BF5;
	[smem:$0x3FB7] =	sst s0  }
0x18: {  	s0 =	sld [smem:$0x3F9A];
	_ =	swait.ge [sflag:s4], $0x0  }
0x19: {  	s7 =	sld [smem:$0x3F9B]  }
0x1a: {  	s8 =	sadd.s32 $0xFFFFE003, lr  }
0x1b: {  	s9 =	sadd.s32 $0xFFFFFEF7, lr;
	s5 =	simm.s32 $0xFFFFFFFF;
	p2 =	slt.u32 s8, $0xFFFFF086  }
0x1c: {  	p1 =	slt.u32 s9, $0xF7A;
	s5 =	simm.s32 @!p2 $0x0  }
0x1d: {  	s5 =	simm.s32 @p1 $0x1;
	p0 =	seq.s32 s7, s2  }
0x1e: {  	s7 =	smul.u32 @!p0 $0xF7A, s2;
	p2 =	seq.s32 @!p0 s5, $0x0  }
0x1f: {  	s9 =	smul.u32 $0xF7A, s1;
	s8 =	simm.s32 @!p0 $0x1BF5;
	p2 =	por !p2, p0  }
0x20: {  	[sflag:s8] =	ssyncset.s32 @!p0 $0xFFFFF086;
	s6 =	sadd.s32 @!p0 s3, s7;
	s7 =	simm.s32 @!p0 $0x108  }
0x21: {  	s3 =	sadd.s32 s3, s9;
	s6 =	sadd.s32 @!p0 $0x88, s6;
	s7 =	simm.s32 @p2 $0x1082  }
0x22: {  	[simem:s7], [sflag:s8] =	dma.local @!p0 [hbm:s6], $0xF7A  }
0x23: {  	s9 =	sor.u32 $0xD0000000, s2;
	s6 =	simm.s32 $0x108;
	_ =	swait.ge @!p0 [sflag:s8], $0x0  }
0x24: {  	s3 =	sadd.s32 $0x88, s3;
	s6 =	simm.s32 @!p1 $0x1082;
	[sflag:s4] =	ssyncset.s32 $0xFFFFF086  }
0x25: {  	[simem:s6], [sflag:s4] =	dma.local [hbm:s3], $0xF7A  }
0x26: {  	[smem:$0x3F9B] =	sst s1;
	(tag) =	ssettag s2;
	_ =	strace s9  }
0x27: {  	s1 =	sld [smem:$0x3FAB]  }
0x28: {  	s2 =	sld [smem:$0x3FAC]  }
0x29: {  	s4 =	sld [smem:$0x3FAE]  }
0x2a: {  	p0 =	seq.s32 s5, $0x0;
	s5 =	sld [smem:$0x3FAF]  }
0x2b: {  	s6 =	sld [smem:$0x3FB0]  }
0x2c: {  	s7 =	sld [smem:$0x3FB1]  }
0x2d: {  	s3 =	simm.s32 $0x108;
	s8 =	sld [smem:$0x3FB2]  }
0x2e: {  	s3 =	simm.s32 @!p0 $0x1082;
	s9 =	sld [smem:$0x3FB3]  }
0x2f: {  	lr =	sadd.s32 s0, s3;
	s0 =	sld [smem:$0x3FAA]  }
0x30: {  	s3 =	sld [smem:$0x3FAD]  }
0x31: {  	[smem:$0x3FB6] =	sst s10  }
0x32: {  	s10 =	sld [smem:$0x3FB4];
	_ =	sdelay $0x3  }
0x33: {  	p0 =	seq.s32 s10, $0x1;
	s10 =	sld [smem:$0x3FB6];
	_ =	sdelay $0x3  }
0x34: {  	[smem:$0x3FB6] =	sst s10  }
0x35: {  	s10 =	sld [smem:$0x3FB5];
	_ =	sdelay $0x3  }
0x36: {  	p1 =	seq.s32 s10, $0x1;
	s10 =	sld [smem:$0x3FB6];
	_ =	sdelay $0x3  }
0x37: {  	[smem:$0x3FB6] =	sst s10  }
0x38: {  	s10 =	sld [smem:$0x3FB7]  }
0x39: {  	_ = 	snop;
	(pc) =	sbr.ind lr, $3  }
0x3a: {  	_ = 	snop  }
0x3b: {  	_ = 	snop  }
0x3c: {  	p2 =	seq.s32 s10, $0x1;
	s10 =	sld [smem:$0x3FB6]  }
0x3d: {  	_ =	shalt  }
0x3e: {  	_ =	shalt  }
0x3f: {  	_ =	shalt  }
0x40: {  	_ =	shalt  }
0x41: {  	_ =	shalt  }
0x42: {  	_ =	shalt  }
0x43: {  	_ =	shalt  }
0x44: {  	_ =	shalt  }
0x45: {  	_ =	shalt  }
0x46: {  	_ =	shalt  }
0x47: {  	_ =	shalt  }
0x48: {  	_ =	shalt  }
0x49: {  	_ =	shalt  }
0x4a: {  	_ =	shalt  }
0x4b: {  	_ =	shalt  }
0x4c: {  	_ =	shalt  }
0x4d: {  	_ =	shalt  }
0x4e: {  	_ =	shalt  }
0x4f: {  	_ =	shalt  }
0x50: {  	_ =	shalt  }
0x51: {  	_ =	shalt  }
0x52: {  	_ =	shalt  }
0x53: {  	_ =	shalt  }
0x54: {  	_ =	shalt  }
0x55: {  	_ =	shalt  }
0x56: {  	_ =	shalt  }
0x57: {  	_ =	shalt  }
0x58: {  	_ =	shalt  }
0x59: {  	_ =	shalt  }
0x5a: {  	_ =	shalt  }
0x5b: {  	_ =	shalt  }
0x5c: {  	_ =	shalt  }
0x5d: {  	_ =	shalt  }
0x5e: {  	_ =	shalt  }
0x5f: {  	_ =	shalt  }
0x60: {  	_ =	shalt  }
0x61: {  	_ =	shalt  }
0x62: {  	_ =	shalt  }
0x63: {  	_ =	shalt  }
0x64: {  	_ =	shalt  }
0x65: {  	_ =	shalt  }
0x66: {  	_ =	shalt  }
0x67: {  	_ =	shalt  }
0x68: {  	_ =	shalt  }
0x69: {  	_ =	shalt  }
0x6a: {  	_ =	shalt  }
0x6b: {  	_ =	shalt  }
0x6c: {  	_ =	shalt  }
0x6d: {  	_ =	shalt  }
0x6e: {  	_ =	shalt  }
0x6f: {  	_ =	shalt  }
0x70: {  	_ =	shalt  }
0x71: {  	_ =	shalt  }
0x72: {  	_ =	shalt  }
0x73: {  	_ =	shalt  }
0x74: {  	_ =	shalt  }
0x75: {  	_ =	shalt  }
0x76: {  	_ =	shalt  }
0x77: {  	_ =	shalt  }
0x78: {  	_ =	shalt  }
0x79: {  	_ =	shalt  }
0x7a: {  	_ =	shalt  }
0x7b: {  	_ =	shalt  }
0x7c: {  	_ =	shalt  }
0x7d: {  	_ =	shalt  }
0x7e: {  	_ =	shalt  }
0x7f: {  	_ =	shalt  }
0x80: {  	_ =	shalt  }
0x81: {  	_ =	shalt  }
0x82: {  	_ =	shalt  }
0x83: {  	_ =	shalt  }
0x84: {  	_ =	shalt  }
0x85: {  	_ =	shalt  }
0x86: {  	_ =	shalt  }
0x87: {  	_ =	shalt  }
.Lfunc_end0:
.L_simem_size_0:
called_computation.1_lowered:
.L_overlay_start_0:
0x88: {  	s2 =	sld [smem:$0x3FD9]  }
0x89: {  	s3 =	sld [smem:$0x3FFE];
	_ =	sdelay $0x1  }
0x8a: {  	s1 =	srdreg.scid  }
0x8b: {  	s0 =	sand.u32 $0x1, s1  }
0x8c: {  	s17 =	sshll.u32 s0, $0xA;
	s2 =	sadd.s32 s3, s2  }
0x8d: {  	s2 =	sadd.s32 s2, s17  }
0x8e: {  	[smem:$0x3FC2] =	sst s2  }
0x8f: {  	_ = 	snop  }
0x90: {  	s2 =	sld [smem:$0x3FD0];
	(tm) =	ssettm $0x1  }
0x91: {  	s18 =	sld [smem:$0x3FFB];
	_ =	sdelay $0x3  }
0x92: {  	_ =	strace s18  }
0x93: {  	s3 =	sld [smem:$0x3FFC];
	_ =	sdelay $0x3  }
0x94: {  	_ =	strace s3  }
0x95: {  	s3 =	sld [smem:$0x3FFD];
	_ =	sdelay $0x3  }
0x96: {  	_ =	strace s3  }
0x97: {  	_ =	strace $0x8FFFFFFF  }
0x98: {  	s19 =	sld [smem:$0x3FDB];
	_ =	sdelay $0x1  }
0x99: {  	s4 =	simm.s32 $_scs_section_size  }
0x9a: {  	s5 =	simm.s32 $_size__tile_overlayer_lowered;
	s6 =	simm.s32 $_tile_overlayer_lowered  }
0x9b: {  	s22 =	simm.s32 $0x1BFF;
	s21 =	sshll.u32 s6, $0x1;
	s3 =	sadd.s32 s4, s19  }
0x9c: {  	s7 =	simm.s32 $0x0;
	s20 =	sshll.u32 s5, $0x1;
	s5 =	sadd.s32 s21, s3  }
0x9d: {  	[timem:s7], [sflag:s22] =	dma.local [hbm:s5], s20  }
0x9e: {  	_ =	swait.ge [sflag:s22], s20  }
0x9f: {  	s4 =	ssub.s32 $0x0, s20;
	[sflag:s22] =	ssyncset.done $0x0  }
0xa0: {  	[sflag:s22] =	ssyncadd.s32 s4;
	_ =	sdelay $0x1  }
0xa1: {  	s23 =	simm.s32 $0x1B8B  }
0xa2: {  	_ =	swait.ge [sflag:s23], $0x1  }
0xa3: {  	[sflag:s23] =	ssyncset.done $0x0  }
0xa4: {  	s25 =	simm.s32 $0x1B8E;
	s24 =	sld [smem:$0x3FFE];
	[sflag:s23] =	ssyncadd.s32 $0xFFFFFFFF  }
0xa5: {  	s26 =	simm.s32 $execute0_lowered;
	[smem:$0x3FD2] =	sst s25  }
0xa6: {  	s5 =	sshll.u32 s26, $0x1;
	_ =	strace $0x80000049;
	[dreg:$0x1] =	wrdreg $0xFFFFFFFF  }
0xa7: {  	s28 =	simm.s32 $_size_execute0_lowered;
	s3 =	sadd.s32 s3, s5;
	[dreg:$0x0] =	wrdreg $0x0  }
0xa8: {  	s5 =	sshll.u32 s28, $0x1;
	[dreg:$0x2] =	wrdreg s3  }
0xa9: {  	[dreg:$0x3] =	wrdreg s5  }
0xaa: {  	[dreg:$0x4] =	wrdreg $0xC0  }
0xab: {  	_ =	task [dreg:s7], $0x5FFFF  }
0xac: {  	[dreg:$0x1] =	wrdreg $0xFFFFFFFF  }
0xad: {  	[dreg:$0x0] =	wrdreg $0x60  }
0xae: {  	[dreg:$0x2] =	wrdreg s2  }
0xaf: {  	[dreg:$0x3] =	wrdreg s24  }
0xb0: {  	[dreg:$0x4] =	wrdreg $0x90000  }
0xb1: {  	[dreg:$0x5] =	wrdreg $0x9  }
0xb2: {  	_ =	task.clear_ibuf [dreg:s7], $0x6FFFF;
	_ =	strace $0x90000049  }
0xb3: {  	s29 =	simm.s32 $0x9;
	_ =	strace $0x8000004B  }
0xb4: {  	_ =	swait.ge [sflag:s29], $0x1  }
0xb5: {  	[sflag:s29] =	ssyncadd.s32 $0xFFFFFFFF  }
0xb6: {  	_ =	strace $0x9000004B  }
0xb7: {  	_ =	sfence  }
0xb8: {  	s30 =	sld [smem:$0x0];
	_ =	sdelay $0x2  }
0xb9: {  	s31 =	sshll.u32 s1, $0xD;
	s1 =	sshrl.u32 s1, $0x2  }
0xba: {  	s3 =	sand.u32 $0x4000, s31;
	s1 =	sadd.s32 s1, s30  }
0xbb: {  	s0 =	sor.u32 s3, s0;
	s1 =	sshll.u32 s1, $0x11  }
0xbc: {  	s0 =	sor.u32 s1, s0  }
0xbd: {  	s0 =	sadd.s32 $0x8F2B, s0  }
0xbe: {  	[sflag:s0] =	ssyncadd.remote.s32 $0x1  }
0xbf: {  	_ =	sfence.sel $0xFFFF  }
0xc0: {  	[dreg:$0x0] =	wrdreg $0xFFFFFFFF;
	(pc) =	sbr.abs _section_cstart, $3  }
0xc1: {  	[dreg:$0x1] =	wrdreg $0xFFFFFFFF  }
0xc2: {  	_ =	task.clear_ibuf [dreg:s7], $0x2FFFF;
	_ =	strace $0x9FFFFFFF  }
0xc3: {  	(tm) =	ssettm $0x7FFFFFFF  }
tec
execute0_lowered:
.L_overlay_start_1:
0x0: {  	(tag) =	ssettag $0x1  }
0x1: {  	s1 =	rddreg [dreg:$0x0]  }
0x2: {  	s2 =	srdreg.scid;
	s5 =	rddreg [dreg:$0x1]  }
0x3: {  	s0 =	stileid.u32;
	s3 =	rddreg [dreg:$0x2];
	s4 =	simm.s32 $0x0  }
0x4: {  	s15 =	simm.s32 $0x5000;
	s16 =	simm.s32 $0x1;
	s7 =	smul.u32 $0x500, s0  }
0x5: {  	s6 =	sand.u32 $0x1, s2;
	s2 =	rddreg [dreg:$0x3];
	s10 =	smul.u32 $0x50000, s0  }
0x6: {  	s17 =	simm.s32 $0x0;
	[smem:$0x7FF] =	sst s4;
	s8 =	smul.u32 $0x5000, s6  }
0x7: {  	s31 =	sshll.u32 s0, $0x6;
	s9 =	smul.u32 $0x280, s6;
	s6 =	ssub.s32 $0x2, s6  }
0x8: {  	_ =	strace $0x8000004A;
	s11 =	sadd.s32 s7, s5;
	s29 =	sshrl.u32 s6, $0x1  }
0x9: {  	s30 =	sshrl.u32 s10, $0x2;
	s8 =	sadd.s32 s7, s8;
	s9 =	sadd.s32 s9, s7  }
0xa: {  	s13 =	ssub.s32 s6, s29;
	s14 =	sadd.s32 s30, s3;
	s6 =	sor.u32 $0x1C02, s31  }
0xb: {  	s8 =	sadd.s32 s8, s5;
	s28 =	sshll.u32 s9, $0x4;
	s10 =	smax.u32 s13, $0x1  }
0xc: {  	s13 =	simm.s32 $0x2800;
	s12 =	sadd.s32 s28, s5;
	s5 =	sadd.s32 s1, s28  }
0xd: {  	s7 =	sadd.s32 $0x57200, s8;
	s8 =	sadd.s32 $0x2200, s11;
	s11 =	sshrl.u32 s14, $0x3  }
0xe: {  	s14 =	simm.s32 $0x80;
	s9 =	sadd.s32 $0x7200, s12;
	s12 =	simm.s32 $0x2  }
.LBB2_1:
0xf: {  	[spmem:s11], [sflag:s6] =	dma.local [hbm:s5], $0x2800  }
0x10: {  	_ =	swait.ge [sflag:s12], $0x2800  }
0x11: {  	[sflag:s12] =	ssyncset.done $0x0  }
0x12: {  	[sflag:s12] =	ssyncadd.s32 $0xFFFFD800  }
0x13: {  	[tilespmem:s4], [sflag:$0x2] =	stream.linear.gather [hbm4b:s7+s4], $0x2800, $0x38;
	[tilespmem:$0x1D008] =	vst v63  }
0x14: {  	_ =	swait.ge [sflag:s12], $0x2800  }
0x15: {  	[sflag:s12] =	ssyncset.done $0x0  }
0x16: {  	[sflag:s12] =	ssyncadd.s32 $0xFFFFD800  }
0x17: {  	[tilespmem:s13], [sflag:$0x2] =	stream.linear.gather [hbm4b:s8+s4], $0x2800, $0x38;
	[tilespmem:$0x1D008] =	vst v63  }
0x18: {  	_ =	swait.ge [sflag:s12], $0x2800  }
0x19: {  	[sflag:s12] =	ssyncset.done $0x0  }
0x1a: {  	[sflag:s12] =	ssyncadd.s32 $0xFFFFD800  }
0x1b: {  	s18 =	simm.s32 $0x0;
	[bflag:$0x0] =	sbarrier.arrive $0xFFFF  }
0x1c: {  	[tilespmem:s15], [sflag:$0x1] =	stream.indirect.gather [hbm4b:s1+s14], $0x80, s18, s14, $0xb8;
	[tilespmem:$0x1D008] =	vst v63  }
0x1d: {  	_ =	swait.ge [sflag:s16], $0x4000  }
0x1e: {  	[sflag:s16] =	ssyncset.done $0x0  }
0x1f: {  	s31 =	simm.s32 $0x2800;
	[sflag:s16] =	ssyncadd.s32 $0xFFFFC000  }
0x20: {  	[spmem:s3] =	stream.indirect.scatter.add.f32 [tilespmem:s15], [sflag:$0x2], $0x80, s31, s14, $0xb8;
	[tilespmem:$0x1D008] =	vst v63  }
0x21: {  	_ =	swait.ge [sflag:s12], $0x4000  }
0x22: {  	s19 =	simm.s32 $0x400;
	s18 =	simm.s32 $0x200;
	[sflag:s12] =	ssyncset.done $0x0  }
.LBB2_2:
0x23: {  	s20 =	sshra.s32 s18, $0x2  }
0x24: {  	[sflag:s12] =	ssyncadd.s32 $0xFFFFC000;
	s18 =	smov.u32 s19;
	s21 =	sadd.s32 $0x200, s19  }
0x25: {  	[tilespmem:s15], [sflag:$0x1] =	stream.indirect.gather [hbm4b:s1+s14], $0x80, s20, s14, $0xb8;
	[tilespmem:$0x1D008] =	vst v63  }
0x26: {  	p0 =	sne.s32 s19, $0x9E00;
	_ =	swait.ge [sflag:s16], $0x4000  }
.Ltmp0:
0x27: {  	[sflag:s16] =	ssyncset.done $0x0;
	(pc) =	sbr.rel @p0 .LBB2_2-.Ltmp0, $4  }
0x28: {  	s19 =	sadd.s32 $0x2800, s20;
	[sflag:s16] =	ssyncadd.s32 $0xFFFFC000  }
0x29: {  	[spmem:s3] =	stream.indirect.scatter.add.f32 [tilespmem:s15], [sflag:$0x2], $0x80, s19, s14, $0xb8;
	[tilespmem:$0x1D008] =	vst v63  }
0x2a: {  	_ =	swait.ge [sflag:s12], $0x4000  }
0x2b: {  	s19 =	smov.u32 s21;
	[sflag:s12] =	ssyncset.done $0x0  }
0x2c: {  	s18 =	sshra.s32 s18, $0x2;
	[sflag:s12] =	ssyncadd.s32 $0xFFFFC000  }
0x2d: {  	[tilespmem:s15], [sflag:$0x1] =	stream.indirect.gather [hbm4b:s1+s14], $0x80, s18, s14, $0xb8;
	[tilespmem:$0x1D008] =	vst v63  }
0x2e: {  	_ =	swait.ge [sflag:s16], $0x4000  }
0x2f: {  	[sflag:s16] =	ssyncset.done $0x0  }
0x30: {  	s18 =	sadd.s32 $0x2800, s18;
	[sflag:s16] =	ssyncadd.s32 $0xFFFFC000  }
0x31: {  	[spmem:s3] =	stream.indirect.scatter.add.f32 [tilespmem:s15], [sflag:$0x2], $0x80, s18, s14, $0xb8;
	[tilespmem:$0x1D008] =	vst v63  }
0x32: {  	_ =	swait.ge [sflag:s12], $0x4000  }
0x33: {  	s17 =	sadd.s32 $0x1, s17;
	[sflag:s12] =	ssyncset.done $0x0  }
0x34: {  	p0 =	sne.s32 s17, s10;
	[sflag:s12] =	ssyncadd.s32 $0xFFFFC000  }
.Ltmp1:
0x35: {  	[bflag:$0x0] =	sbarrier.arrive $0xFFFF;
	(pc) =	sbr.rel @p0 .LBB2_1-.Ltmp1, $4  }
0x36: {  	[hbm:s9], [sflag:s6] =	dma.local [spmem:s11], $0x2800  }
0x37: {  	_ =	swait.ge [sflag:s12], $0x2800  }
0x38: {  	[sflag:s12] =	ssyncset.done $0x0  }
0x39: {  	[sflag:s12] =	ssyncadd.s32 $0xFFFFD800  }
0x3a: {  	_ =	sfence.sel $0x180000  }
0x3b: {  	[bflag:$0x0] =	sbarrier.arrive $0xFFFF  }
0x3c: {  	p0 =	sne.s32 s0, $0x0;
	_ =	strace $0x9000004A  }
0x3d: {  	s0 =	sadd.s32 @!p0 $0x100000, s2;
	[bflag:$0x2] =	sbarrier.arrive $0xFFFF  }
0x3e: {  	[sflag:s0] =	ssyncadd.tile.s32 @!p0 $0x1;
	_ =	shalt  }
.Lfunc_end2:
_tile_overlayer_lowered:
.L_overlay_start_2:
0x3f: {  	(tag) =	ssettag $0x2  }
0x40: {  	s0 =	rddreg [dreg:$0x0];
	s2 =	stileid.u32  }
0x41: {  	s1 =	rddreg [dreg:$0x1];
	p0 =	sne.s32 s2, $0x0  }
0x42: {  	s3 =	rddreg [dreg:$0x2];
	[bflag:$0x3] =	sbarrier.arrive $0xFFFF;
	s2 =	simm.s32 @!p0 $0x1C02  }
0x43: {  	[timem:s3], [sflag:s2] =	dma.local @!p0 [hbm:s0], s1  }
0x44: {  	s0 =	simm.s32 @!p0 $0x2  }
0x45: {  	_ =	swait.ge @!p0 [sflag:s0], s1  }
0x46: {  	s1 =	ssub.s32 @!p0 $0x0, s1;
	[sflag:s0] =	ssyncset.done @!p0 $0x0  }
0x47: {  	[sflag:s0] =	ssyncadd.s32 @!p0 s1  }
0x48: {  	[bflag:$0x3] =	sbarrier.arrive $0xFFFF  }
0x49: {  	_ =	shalt  }

// kernel: kernel.14.cloned.1.call-start
scs
__scs_entry_jumppad:
0x0: {  	(pc) =	sbr.rel $0x88, $3  }
0x1: {  	(tag) =	ssettag $0x0;
	lr =	simm.s32 $0x1  }
0x2: {  	[smem:$0x3F9B] =	sst lr;
	_ =	strace $0xD0000000  }
0x3: {  	_ = 	snop  }
0x4: {  	_ = 	snop  }
0x5: {  	_ = 	snop  }
0x6: {  	_ = 	snop  }
0x7: {  	_ = 	snop  }
__scs_overlays_trampoline_lowered:
0x8: {  	[smem:$0x3FAA] =	sst s0  }
0x9: {  	[smem:$0x3FAB] =	sst s1  }
0xa: {  	[smem:$0x3FAC] =	sst s2  }
0xb: {  	[smem:$0x3FAD] =	sst s3  }
0xc: {  	[smem:$0x3FAE] =	sst s4  }
0xd: {  	[smem:$0x3FAF] =	sst s5  }
0xe: {  	[smem:$0x3FB0] =	sst s6  }
0xf: {  	[smem:$0x3FB1] =	sst s7  }
0x10: {  	[smem:$0x3FB2] =	sst s8  }
0x11: {  	[smem:$0x3FB3] =	sst s9;
	s0 =	simm.s32 @!p0 $0x0  }
0x12: {  	s1 =	sld [smem:$0x3F99];
	s0 =	simm.s32 @p0 $0x1  }
0x13: {  	[smem:$0x3FB4] =	sst s0;
	s0 =	simm.s32 @!p1 $0x0  }
0x14: {  	s2 =	sld [smem:$0x3F98];
	s0 =	simm.s32 @p1 $0x1  }
0x15: {  	[smem:$0x3FB5] =	sst s0;
	s0 =	simm.s32 @!p2 $0x0  }
0x16: {  	s3 =	sld [smem:$0x3FDB];
	s0 =	simm.s32 @p2 $0x1  }
0x17: {  	s4 =	simm.s32 $0x1BF5;
	[smem:$0x3FB7] =	sst s0  }
0x18: {  	s0 =	sld [smem:$0x3F9A];
	_ =	swait.ge [sflag:s4], $0x0  }
0x19: {  	s7 =	sld [smem:$0x3F9B]  }
0x1a: {  	s8 =	sadd.s32 $0xFFFFE003, lr  }
0x1b: {  	s9 =	sadd.s32 $0xFFFFFEF7, lr;
	s5 =	simm.s32 $0xFFFFFFFF;
	p2 =	slt.u32 s8, $0xFFFFF086  }
0x1c: {  	p1 =	slt.u32 s9, $0xF7A;
	s5 =	simm.s32 @!p2 $0x0  }
0x1d: {  	s5 =	simm.s32 @p1 $0x1;
	p0 =	seq.s32 s7, s2  }
0x1e: {  	s7 =	smul.u32 @!p0 $0xF7A, s2;
	p2 =	seq.s32 @!p0 s5, $0x0  }
0x1f: {  	s9 =	smul.u32 $0xF7A, s1;
	s8 =	simm.s32 @!p0 $0x1BF5;
	p2 =	por !p2, p0  }
0x20: {  	[sflag:s8] =	ssyncset.s32 @!p0 $0xFFFFF086;
	s6 =	sadd.s32 @!p0 s3, s7;
	s7 =	simm.s32 @!p0 $0x108  }
0x21: {  	s3 =	sadd.s32 s3, s9;
	s6 =	sadd.s32 @!p0 $0x88, s6;
	s7 =	simm.s32 @p2 $0x1082  }
0x22: {  	[simem:s7], [sflag:s8] =	dma.local @!p0 [hbm:s6], $0xF7A  }
0x23: {  	s9 =	sor.u32 $0xD0000000, s2;
	s6 =	simm.s32 $0x108;
	_ =	swait.ge @!p0 [sflag:s8], $0x0  }
0x24: {  	s3 =	sadd.s32 $0x88, s3;
	s6 =	simm.s32 @!p1 $0x1082;
	[sflag:s4] =	ssyncset.s32 $0xFFFFF086  }
0x25: {  	[simem:s6], [sflag:s4] =	dma.local [hbm:s3], $0xF7A  }
0x26: {  	[smem:$0x3F9B] =	sst s1;
	(tag) =	ssettag s2;
	_ =	strace s9  }
0x27: {  	s1 =	sld [smem:$0x3FAB]  }
0x28: {  	s2 =	sld [smem:$0x3FAC]  }
0x29: {  	s4 =	sld [smem:$0x3FAE]  }
0x2a: {  	p0 =	seq.s32 s5, $0x0;
	s5 =	sld [smem:$0x3FAF]  }
0x2b: {  	s6 =	sld [smem:$0x3FB0]  }
0x2c: {  	s7 =	sld [smem:$0x3FB1]  }
0x2d: {  	s3 =	simm.s32 $0x108;
	s8 =	sld [smem:$0x3FB2]  }
0x2e: {  	s3 =	simm.s32 @!p0 $0x1082;
	s9 =	sld [smem:$0x3FB3]  }
0x2f: {  	lr =	sadd.s32 s0, s3;
	s0 =	sld [smem:$0x3FAA]  }
0x30: {  	s3 =	sld [smem:$0x3FAD]  }
0x31: {  	[smem:$0x3FB6] =	sst s10  }
0x32: {  	s10 =	sld [smem:$0x3FB4];
	_ =	sdelay $0x3  }
0x33: {  	p0 =	seq.s32 s10, $0x1;
	s10 =	sld [smem:$0x3FB6];
	_ =	sdelay $0x3  }
0x34: {  	[smem:$0x3FB6] =	sst s10  }
0x35: {  	s10 =	sld [smem:$0x3FB5];
	_ =	sdelay $0x3  }
0x36: {  	p1 =	seq.s32 s10, $0x1;
	s10 =	sld [smem:$0x3FB6];
	_ =	sdelay $0x3  }
0x37: {  	[smem:$0x3FB6] =	sst s10  }
0x38: {  	s10 =	sld [smem:$0x3FB7]  }
0x39: {  	_ = 	snop;
	(pc) =	sbr.ind lr, $3  }
0x3a: {  	_ = 	snop  }
0x3b: {  	_ = 	snop  }
0x3c: {  	p2 =	seq.s32 s10, $0x1;
	s10 =	sld [smem:$0x3FB6]  }
0x3d: {  	_ =	shalt  }
0x3e: {  	_ =	shalt  }
0x3f: {  	_ =	shalt  }
0x40: {  	_ =	shalt  }
0x41: {  	_ =	shalt  }
0x42: {  	_ =	shalt  }
0x43: {  	_ =	shalt  }
0x44: {  	_ =	shalt  }
0x45: {  	_ =	shalt  }
0x46: {  	_ =	shalt  }
0x47: {  	_ =	shalt  }
0x48: {  	_ =	shalt  }
0x49: {  	_ =	shalt  }
0x4a: {  	_ =	shalt  }
0x4b: {  	_ =	shalt  }
0x4c: {  	_ =	shalt  }
0x4d: {  	_ =	shalt  }
0x4e: {  	_ =	shalt  }
0x4f: {  	_ =	shalt  }
0x50: {  	_ =	shalt  }
0x51: {  	_ =	shalt  }
0x52: {  	_ =	shalt  }
0x53: {  	_ =	shalt  }
0x54: {  	_ =	shalt  }
0x55: {  	_ =	shalt  }
0x56: {  	_ =	shalt  }
0x57: {  	_ =	shalt  }
0x58: {  	_ =	shalt  }
0x59: {  	_ =	shalt  }
0x5a: {  	_ =	shalt  }
0x5b: {  	_ =	shalt  }
0x5c: {  	_ =	shalt  }
0x5d: {  	_ =	shalt  }
0x5e: {  	_ =	shalt  }
0x5f: {  	_ =	shalt  }
0x60: {  	_ =	shalt  }
0x61: {  	_ =	shalt  }
0x62: {  	_ =	shalt  }
0x63: {  	_ =	shalt  }
0x64: {  	_ =	shalt  }
0x65: {  	_ =	shalt  }
0x66: {  	_ =	shalt  }
0x67: {  	_ =	shalt  }
0x68: {  	_ =	shalt  }
0x69: {  	_ =	shalt  }
0x6a: {  	_ =	shalt  }
0x6b: {  	_ =	shalt  }
0x6c: {  	_ =	shalt  }
0x6d: {  	_ =	shalt  }
0x6e: {  	_ =	shalt  }
0x6f: {  	_ =	shalt  }
0x70: {  	_ =	shalt  }
0x71: {  	_ =	shalt  }
0x72: {  	_ =	shalt  }
0x73: {  	_ =	shalt  }
0x74: {  	_ =	shalt  }
0x75: {  	_ =	shalt  }
0x76: {  	_ =	shalt  }
0x77: {  	_ =	shalt  }
0x78: {  	_ =	shalt  }
0x79: {  	_ =	shalt  }
0x7a: {  	_ =	shalt  }
0x7b: {  	_ =	shalt  }
0x7c: {  	_ =	shalt  }
0x7d: {  	_ =	shalt  }
0x7e: {  	_ =	shalt  }
0x7f: {  	_ =	shalt  }
0x80: {  	_ =	shalt  }
0x81: {  	_ =	shalt  }
0x82: {  	_ =	shalt  }
0x83: {  	_ =	shalt  }
0x84: {  	_ =	shalt  }
0x85: {  	_ =	shalt  }
0x86: {  	_ =	shalt  }
0x87: {  	_ =	shalt  }
.Lfunc_end0:
.L_simem_size_0:
called_computation.2_lowered:
.L_overlay_start_0:
0x88: {  	s2 =	sld [smem:$0x3FD9]  }
0x89: {  	s3 =	sld [smem:$0x3FFE];
	_ =	sdelay $0x1  }
0x8a: {  	s1 =	srdreg.scid  }
0x8b: {  	s0 =	sand.u32 $0x1, s1  }
0x8c: {  	s17 =	sshll.u32 s0, $0xA;
	s2 =	sadd.s32 s3, s2  }
0x8d: {  	s2 =	sadd.s32 s2, s17  }
0x8e: {  	[smem:$0x3FC2] =	sst s2  }
0x8f: {  	_ = 	snop  }
0x90: {  	s2 =	sld [smem:$0x3FD0];
	(tm) =	ssettm $0x1  }
0x91: {  	s18 =	sld [smem:$0x3FFB];
	_ =	sdelay $0x3  }
0x92: {  	_ =	strace s18  }
0x93: {  	s3 =	sld [smem:$0x3FFC];
	_ =	sdelay $0x3  }
0x94: {  	_ =	strace s3  }
0x95: {  	s3 =	sld [smem:$0x3FFD];
	_ =	sdelay $0x3  }
0x96: {  	_ =	strace s3  }
0x97: {  	_ =	strace $0x8FFFFFFF  }
0x98: {  	s19 =	sld [smem:$0x3FDB];
	_ =	sdelay $0x1  }
0x99: {  	s4 =	simm.s32 $_scs_section_size  }
0x9a: {  	s5 =	simm.s32 $_size__tile_overlayer_lowered;
	s6 =	simm.s32 $_tile_overlayer_lowered  }
0x9b: {  	s22 =	simm.s32 $0x1BFF;
	s21 =	sshll.u32 s6, $0x1;
	s3 =	sadd.s32 s4, s19  }
0x9c: {  	s7 =	simm.s32 $0x0;
	s20 =	sshll.u32 s5, $0x1;
	s5 =	sadd.s32 s21, s3  }
0x9d: {  	[timem:s7], [sflag:s22] =	dma.local [hbm:s5], s20  }
0x9e: {  	_ =	swait.ge [sflag:s22], s20  }
0x9f: {  	s4 =	ssub.s32 $0x0, s20;
	[sflag:s22] =	ssyncset.done $0x0  }
0xa0: {  	[sflag:s22] =	ssyncadd.s32 s4;
	_ =	sdelay $0x1  }
0xa1: {  	s23 =	simm.s32 $0x1B8B  }
0xa2: {  	_ =	swait.ge [sflag:s23], $0x1  }
0xa3: {  	[sflag:s23] =	ssyncset.done $0x0  }
0xa4: {  	s25 =	simm.s32 $0x1B8E;
	s24 =	sld [smem:$0x3FFE];
	[sflag:s23] =	ssyncadd.s32 $0xFFFFFFFF  }
0xa5: {  	s26 =	simm.s32 $execute0_lowered;
	[smem:$0x3FD2] =	sst s25  }
0xa6: {  	s5 =	sshll.u32 s26, $0x1;
	_ =	strace $0x8000004C;
	[dreg:$0x1] =	wrdreg $0xFFFFFFFF  }
0xa7: {  	s28 =	simm.s32 $_size_execute0_lowered;
	s3 =	sadd.s32 s3, s5;
	[dreg:$0x0] =	wrdreg $0x0  }
0xa8: {  	s5 =	sshll.u32 s28, $0x1;
	[dreg:$0x2] =	wrdreg s3  }
0xa9: {  	[dreg:$0x3] =	wrdreg s5  }
0xaa: {  	[dreg:$0x4] =	wrdreg $0xC0  }
0xab: {  	_ =	task [dreg:s7], $0x5FFFF  }
0xac: {  	[dreg:$0x1] =	wrdreg $0xFFFFFFFF  }
0xad: {  	[dreg:$0x0] =	wrdreg $0x60  }
0xae: {  	[dreg:$0x2] =	wrdreg s2  }
0xaf: {  	[dreg:$0x3] =	wrdreg s24  }
0xb0: {  	[dreg:$0x4] =	wrdreg $0x90000  }
0xb1: {  	[dreg:$0x5] =	wrdreg $0x9  }
0xb2: {  	_ =	task.clear_ibuf [dreg:s7], $0x6FFFF;
	_ =	strace $0x9000004C  }
0xb3: {  	s29 =	simm.s32 $0x9;
	_ =	strace $0x8000004E  }
0xb4: {  	_ =	swait.ge [sflag:s29], $0x1  }
0xb5: {  	[sflag:s29] =	ssyncadd.s32 $0xFFFFFFFF  }
0xb6: {  	_ =	strace $0x9000004E  }
0xb7: {  	_ =	sfence  }
0xb8: {  	s30 =	sld [smem:$0x0];
	_ =	sdelay $0x2  }
0xb9: {  	s31 =	sshll.u32 s1, $0xD;
	s1 =	sshrl.u32 s1, $0x2  }
0xba: {  	s3 =	sand.u32 $0x4000, s31;
	s1 =	sadd.s32 s1, s30  }
0xbb: {  	s0 =	sor.u32 s3, s0;
	s1 =	sshll.u32 s1, $0x11  }
0xbc: {  	s0 =	sor.u32 s1, s0  }
0xbd: {  	s0 =	sadd.s32 $0x8F2B, s0  }
0xbe: {  	[sflag:s0] =	ssyncadd.remote.s32 $0x1  }
0xbf: {  	_ =	sfence.sel $0xFFFF  }
0xc0: {  	[dreg:$0x0] =	wrdreg $0xFFFFFFFF;
	(pc) =	sbr.abs _section_cstart, $3  }
0xc1: {  	[dreg:$0x1] =	wrdreg $0xFFFFFFFF  }
0xc2: {  	_ =	task.clear_ibuf [dreg:s7], $0x2FFFF;
	_ =	strace $0x9FFFFFFF  }
0xc3: {  	(tm) =	ssettm $0x7FFFFFFF  }
tec
execute0_lowered:
.L_overlay_start_1:
0x0: {  	(tag) =	ssettag $0x1  }
0x1: {  	s1 =	rddreg [dreg:$0x0]  }
0x2: {  	s2 =	srdreg.scid;
	s5 =	rddreg [dreg:$0x1]  }
0x3: {  	s0 =	stileid.u32;
	s3 =	rddreg [dreg:$0x2];
	s4 =	simm.s32 $0x0  }
0x4: {  	s15 =	simm.s32 $0x5000;
	s16 =	simm.s32 $0x1;
	s7 =	smul.u32 $0x500, s0  }
0x5: {  	s6 =	sand.u32 $0x1, s2;
	s2 =	rddreg [dreg:$0x3];
	s10 =	smul.u32 $0x50000, s0  }
0x6: {  	s17 =	simm.s32 $0x0;
	[smem:$0x7FF] =	sst s4;
	s8 =	smul.u32 $0x5000, s6  }
0x7: {  	s31 =	sshll.u32 s0, $0x6;
	s9 =	smul.u32 $0x280, s6;
	s6 =	ssub.s32 $0x2, s6  }
0x8: {  	_ =	strace $0x8000004D;
	s11 =	sadd.s32 s7, s5;
	s29 =	sshrl.u32 s6, $0x1  }
0x9: {  	s30 =	sshrl.u32 s10, $0x2;
	s8 =	sadd.s32 s7, s8;
	s9 =	sadd.s32 s9, s7  }
0xa: {  	s13 =	ssub.s32 s6, s29;
	s14 =	sadd.s32 s30, s3;
	s6 =	sor.u32 $0x1C02, s31  }
0xb: {  	s8 =	sadd.s32 s8, s5;
	s28 =	sshll.u32 s9, $0x4;
	s10 =	smax.u32 s13, $0x1  }
0xc: {  	s13 =	simm.s32 $0x2800;
	s12 =	sadd.s32 s28, s5;
	s5 =	sadd.s32 s1, s28  }
0xd: {  	s7 =	sadd.s32 $0x57200, s8;
	s8 =	sadd.s32 $0x2200, s11;
	s11 =	sshrl.u32 s14, $0x3  }
0xe: {  	s14 =	simm.s32 $0x80;
	s9 =	sadd.s32 $0x7200, s12;
	s12 =	simm.s32 $0x2  }
.LBB2_1:
0xf: {  	[spmem:s11], [sflag:s6] =	dma.local [hbm:s5], $0x2800  }
0x10: {  	_ =	swait.ge [sflag:s12], $0x2800  }
0x11: {  	[sflag:s12] =	ssyncset.done $0x0  }
0x12: {  	[sflag:s12] =	ssyncadd.s32 $0xFFFFD800  }
0x13: {  	[tilespmem:s4], [sflag:$0x2] =	stream.linear.gather [hbm4b:s7+s4], $0x2800, $0x38;
	[tilespmem:$0x1D008] =	vst v63  }
0x14: {  	_ =	swait.ge [sflag:s12], $0x2800  }
0x15: {  	[sflag:s12] =	ssyncset.done $0x0  }
0x16: {  	[sflag:s12] =	ssyncadd.s32 $0xFFFFD800  }
0x17: {  	[tilespmem:s13], [sflag:$0x2] =	stream.linear.gather [hbm4b:s8+s4], $0x2800, $0x38;
	[tilespmem:$0x1D008] =	vst v63  }
0x18: {  	_ =	swait.ge [sflag:s12], $0x2800  }
0x19: {  	[sflag:s12] =	ssyncset.done $0x0  }
0x1a: {  	[sflag:s12] =	ssyncadd.s32 $0xFFFFD800  }
0x1b: {  	s18 =	simm.s32 $0x0;
	[bflag:$0x0] =	sbarrier.arrive $0xFFFF  }
0x1c: {  	[tilespmem:s15], [sflag:$0x1] =	stream.indirect.gather [hbm4b:s1+s14], $0x80, s18, s14, $0xb8;
	[tilespmem:$0x1D008] =	vst v63  }
0x1d: {  	_ =	swait.ge [sflag:s16], $0x4000  }
0x1e: {  	[sflag:s16] =	ssyncset.done $0x0  }
0x1f: {  	s31 =	simm.s32 $0x2800;
	[sflag:s16] =	ssyncadd.s32 $0xFFFFC000  }
0x20: {  	[spmem:s3] =	stream.indirect.scatter.add.f32 [tilespmem:s15], [sflag:$0x2], $0x80, s31, s14, $0xb8;
	[tilespmem:$0x1D008] =	vst v63  }
0x21: {  	_ =	swait.ge [sflag:s12], $0x4000  }
0x22: {  	s19 =	simm.s32 $0x400;
	s18 =	simm.s32 $0x200;
	[sflag:s12] =	ssyncset.done $0x0  }
.LBB2_2:
0x23: {  	s20 =	sshra.s32 s18, $0x2  }
0x24: {  	[sflag:s12] =	ssyncadd.s32 $0xFFFFC000;
	s18 =	smov.u32 s19;
	s21 =	sadd.s32 $0x200, s19  }
0x25: {  	[tilespmem:s15], [sflag:$0x1] =	stream.indirect.gather [hbm4b:s1+s14], $0x80, s20, s14, $0xb8;
	[tilespmem:$0x1D008] =	vst v63  }
0x26: {  	p0 =	sne.s32 s19, $0x9E00;
	_ =	swait.ge [sflag:s16], $0x4000  }
.Ltmp0:
0x27: {  	[sflag:s16] =	ssyncset.done $0x0;
	(pc) =	sbr.rel @p0 .LBB2_2-.Ltmp0, $4  }
0x28: {  	s19 =	sadd.s32 $0x2800, s20;
	[sflag:s16] =	ssyncadd.s32 $0xFFFFC000  }
0x29: {  	[spmem:s3] =	stream.indirect.scatter.add.f32 [tilespmem:s15], [sflag:$0x2], $0x80, s19, s14, $0xb8;
	[tilespmem:$0x1D008] =	vst v63  }
0x2a: {  	_ =	swait.ge [sflag:s12], $0x4000  }
0x2b: {  	s19 =	smov.u32 s21;
	[sflag:s12] =	ssyncset.done $0x0  }
0x2c: {  	s18 =	sshra.s32 s18, $0x2;
	[sflag:s12] =	ssyncadd.s32 $0xFFFFC000  }
0x2d: {  	[tilespmem:s15], [sflag:$0x1] =	stream.indirect.gather [hbm4b:s1+s14], $0x80, s18, s14, $0xb8;
	[tilespmem:$0x1D008] =	vst v63  }
0x2e: {  	_ =	swait.ge [sflag:s16], $0x4000  }
0x2f: {  	[sflag:s16] =	ssyncset.done $0x0  }
0x30: {  	s18 =	sadd.s32 $0x2800, s18;
	[sflag:s16] =	ssyncadd.s32 $0xFFFFC000  }
0x31: {  	[spmem:s3] =	stream.indirect.scatter.add.f32 [tilespmem:s15], [sflag:$0x2], $0x80, s18, s14, $0xb8;
	[tilespmem:$0x1D008] =	vst v63  }
0x32: {  	_ =	swait.ge [sflag:s12], $0x4000  }
0x33: {  	s17 =	sadd.s32 $0x1, s17;
	[sflag:s12] =	ssyncset.done $0x0  }
0x34: {  	p0 =	sne.s32 s17, s10;
	[sflag:s12] =	ssyncadd.s32 $0xFFFFC000  }
.Ltmp1:
0x35: {  	[bflag:$0x0] =	sbarrier.arrive $0xFFFF;
	(pc) =	sbr.rel @p0 .LBB2_1-.Ltmp1, $4  }
0x36: {  	[hbm:s9], [sflag:s6] =	dma.local [spmem:s11], $0x2800  }
0x37: {  	_ =	swait.ge [sflag:s12], $0x2800  }
0x38: {  	[sflag:s12] =	ssyncset.done $0x0  }
0x39: {  	[sflag:s12] =	ssyncadd.s32 $0xFFFFD800  }
0x3a: {  	_ =	sfence.sel $0x180000  }
0x3b: {  	[bflag:$0x0] =	sbarrier.arrive $0xFFFF  }
0x3c: {  	p0 =	sne.s32 s0, $0x0;
	_ =	strace $0x9000004D  }
0x3d: {  	s0 =	sadd.s32 @!p0 $0x100000, s2;
	[bflag:$0x2] =	sbarrier.arrive $0xFFFF  }
0x3e: {  	[sflag:s0] =	ssyncadd.tile.s32 @!p0 $0x1;
	_ =	shalt  }
.Lfunc_end2:
_tile_overlayer_lowered:
.L_overlay_start_2:
0x3f: {  	(tag) =	ssettag $0x2  }
0x40: {  	s0 =	rddreg [dreg:$0x0];
	s2 =	stileid.u32  }
0x41: {  	s1 =	rddreg [dreg:$0x1];
	p0 =	sne.s32 s2, $0x0  }
0x42: {  	s3 =	rddreg [dreg:$0x2];
	[bflag:$0x3] =	sbarrier.arrive $0xFFFF;
	s2 =	simm.s32 @!p0 $0x1C02  }
0x43: {  	[timem:s3], [sflag:s2] =	dma.local @!p0 [hbm:s0], s1  }
0x44: {  	s0 =	simm.s32 @!p0 $0x2  }
0x45: {  	_ =	swait.ge @!p0 [sflag:s0], s1  }
0x46: {  	s1 =	ssub.s32 @!p0 $0x0, s1;
	[sflag:s0] =	ssyncset.done @!p0 $0x0  }
0x47: {  	[sflag:s0] =	ssyncadd.s32 @!p0 s1  }
0x48: {  	[bflag:$0x3] =	sbarrier.arrive $0xFFFF  }
0x49: {  	_ =	shalt  }

// kernel: kernel.8.cloned.1.call-start
scs
__scs_entry_jumppad:
0x0: {  	(pc) =	sbr.rel $0x88, $3  }
0x1: {  	(tag) =	ssettag $0x0;
	lr =	simm.s32 $0x1  }
0x2: {  	[smem:$0x3F9B] =	sst lr;
	_ =	strace $0xD0000000  }
0x3: {  	_ = 	snop  }
0x4: {  	_ = 	snop  }
0x5: {  	_ = 	snop  }
0x6: {  	_ = 	snop  }
0x7: {  	_ = 	snop  }
__scs_overlays_trampoline_lowered:
0x8: {  	[smem:$0x3FAA] =	sst s0  }
0x9: {  	[smem:$0x3FAB] =	sst s1  }
0xa: {  	[smem:$0x3FAC] =	sst s2  }
0xb: {  	[smem:$0x3FAD] =	sst s3  }
0xc: {  	[smem:$0x3FAE] =	sst s4  }
0xd: {  	[smem:$0x3FAF] =	sst s5  }
0xe: {  	[smem:$0x3FB0] =	sst s6  }
0xf: {  	[smem:$0x3FB1] =	sst s7  }
0x10: {  	[smem:$0x3FB2] =	sst s8  }
0x11: {  	[smem:$0x3FB3] =	sst s9;
	s0 =	simm.s32 @!p0 $0x0  }
0x12: {  	s1 =	sld [smem:$0x3F99];
	s0 =	simm.s32 @p0 $0x1  }
0x13: {  	[smem:$0x3FB4] =	sst s0;
	s0 =	simm.s32 @!p1 $0x0  }
0x14: {  	s2 =	sld [smem:$0x3F98];
	s0 =	simm.s32 @p1 $0x1  }
0x15: {  	[smem:$0x3FB5] =	sst s0;
	s0 =	simm.s32 @!p2 $0x0  }
0x16: {  	s3 =	sld [smem:$0x3FDB];
	s0 =	simm.s32 @p2 $0x1  }
0x17: {  	s4 =	simm.s32 $0x1BF5;
	[smem:$0x3FB7] =	sst s0  }
0x18: {  	s0 =	sld [smem:$0x3F9A];
	_ =	swait.ge [sflag:s4], $0x0  }
0x19: {  	s7 =	sld [smem:$0x3F9B]  }
0x1a: {  	s8 =	sadd.s32 $0xFFFFE003, lr  }
0x1b: {  	s9 =	sadd.s32 $0xFFFFFEF7, lr;
	s5 =	simm.s32 $0xFFFFFFFF;
	p2 =	slt.u32 s8, $0xFFFFF086  }
0x1c: {  	p1 =	slt.u32 s9, $0xF7A;
	s5 =	simm.s32 @!p2 $0x0  }
0x1d: {  	s5 =	simm.s32 @p1 $0x1;
	p0 =	seq.s32 s7, s2  }
0x1e: {  	s7 =	smul.u32 @!p0 $0xF7A, s2;
	p2 =	seq.s32 @!p0 s5, $0x0  }
0x1f: {  	s9 =	smul.u32 $0xF7A, s1;
	s8 =	simm.s32 @!p0 $0x1BF5;
	p2 =	por !p2, p0  }
0x20: {  	[sflag:s8] =	ssyncset.s32 @!p0 $0xFFFFF086;
	s6 =	sadd.s32 @!p0 s3, s7;
	s7 =	simm.s32 @!p0 $0x108  }
0x21: {  	s3 =	sadd.s32 s3, s9;
	s6 =	sadd.s32 @!p0 $0x88, s6;
	s7 =	simm.s32 @p2 $0x1082  }
0x22: {  	[simem:s7], [sflag:s8] =	dma.local @!p0 [hbm:s6], $0xF7A  }
0x23: {  	s9 =	sor.u32 $0xD0000000, s2;
	s6 =	simm.s32 $0x108;
	_ =	swait.ge @!p0 [sflag:s8], $0x0  }
0x24: {  	s3 =	sadd.s32 $0x88, s3;
	s6 =	simm.s32 @!p1 $0x1082;
	[sflag:s4] =	ssyncset.s32 $0xFFFFF086  }
0x25: {  	[simem:s6], [sflag:s4] =	dma.local [hbm:s3], $0xF7A  }
0x26: {  	[smem:$0x3F9B] =	sst s1;
	(tag) =	ssettag s2;
	_ =	strace s9  }
0x27: {  	s1 =	sld [smem:$0x3FAB]  }
0x28: {  	s2 =	sld [smem:$0x3FAC]  }
0x29: {  	s4 =	sld [smem:$0x3FAE]  }
0x2a: {  	p0 =	seq.s32 s5, $0x0;
	s5 =	sld [smem:$0x3FAF]  }
0x2b: {  	s6 =	sld [smem:$0x3FB0]  }
0x2c: {  	s7 =	sld [smem:$0x3FB1]  }
0x2d: {  	s3 =	simm.s32 $0x108;
	s8 =	sld [smem:$0x3FB2]  }
0x2e: {  	s3 =	simm.s32 @!p0 $0x1082;
	s9 =	sld [smem:$0x3FB3]  }
0x2f: {  	lr =	sadd.s32 s0, s3;
	s0 =	sld [smem:$0x3FAA]  }
0x30: {  	s3 =	sld [smem:$0x3FAD]  }
0x31: {  	[smem:$0x3FB6] =	sst s10  }
0x32: {  	s10 =	sld [smem:$0x3FB4];
	_ =	sdelay $0x3  }
0x33: {  	p0 =	seq.s32 s10, $0x1;
	s10 =	sld [smem:$0x3FB6];
	_ =	sdelay $0x3  }
0x34: {  	[smem:$0x3FB6] =	sst s10  }
0x35: {  	s10 =	sld [smem:$0x3FB5];
	_ =	sdelay $0x3  }
0x36: {  	p1 =	seq.s32 s10, $0x1;
	s10 =	sld [smem:$0x3FB6];
	_ =	sdelay $0x3  }
0x37: {  	[smem:$0x3FB6] =	sst s10  }
0x38: {  	s10 =	sld [smem:$0x3FB7]  }
0x39: {  	_ = 	snop;
	(pc) =	sbr.ind lr, $3  }
0x3a: {  	_ = 	snop  }
0x3b: {  	_ = 	snop  }
0x3c: {  	p2 =	seq.s32 s10, $0x1;
	s10 =	sld [smem:$0x3FB6]  }
0x3d: {  	_ =	shalt  }
0x3e: {  	_ =	shalt  }
0x3f: {  	_ =	shalt  }
0x40: {  	_ =	shalt  }
0x41: {  	_ =	shalt  }
0x42: {  	_ =	shalt  }
0x43: {  	_ =	shalt  }
0x44: {  	_ =	shalt  }
0x45: {  	_ =	shalt  }
0x46: {  	_ =	shalt  }
0x47: {  	_ =	shalt  }
0x48: {  	_ =	shalt  }
0x49: {  	_ =	shalt  }
0x4a: {  	_ =	shalt  }
0x4b: {  	_ =	shalt  }
0x4c: {  	_ =	shalt  }
0x4d: {  	_ =	shalt  }
0x4e: {  	_ =	shalt  }
0x4f: {  	_ =	shalt  }
0x50: {  	_ =	shalt  }
0x51: {  	_ =	shalt  }
0x52: {  	_ =	shalt  }
0x53: {  	_ =	shalt  }
0x54: {  	_ =	shalt  }
0x55: {  	_ =	shalt  }
0x56: {  	_ =	shalt  }
0x57: {  	_ =	shalt  }
0x58: {  	_ =	shalt  }
0x59: {  	_ =	shalt  }
0x5a: {  	_ =	shalt  }
0x5b: {  	_ =	shalt  }
0x5c: {  	_ =	shalt  }
0x5d: {  	_ =	shalt  }
0x5e: {  	_ =	shalt  }
0x5f: {  	_ =	shalt  }
0x60: {  	_ =	shalt  }
0x61: {  	_ =	shalt  }
0x62: {  	_ =	shalt  }
0x63: {  	_ =	shalt  }
0x64: {  	_ =	shalt  }
0x65: {  	_ =	shalt  }
0x66: {  	_ =	shalt  }
0x67: {  	_ =	shalt  }
0x68: {  	_ =	shalt  }
0x69: {  	_ =	shalt  }
0x6a: {  	_ =	shalt  }
0x6b: {  	_ =	shalt  }
0x6c: {  	_ =	shalt  }
0x6d: {  	_ =	shalt  }
0x6e: {  	_ =	shalt  }
0x6f: {  	_ =	shalt  }
0x70: {  	_ =	shalt  }
0x71: {  	_ =	shalt  }
0x72: {  	_ =	shalt  }
0x73: {  	_ =	shalt  }
0x74: {  	_ =	shalt  }
0x75: {  	_ =	shalt  }
0x76: {  	_ =	shalt  }
0x77: {  	_ =	shalt  }
0x78: {  	_ =	shalt  }
0x79: {  	_ =	shalt  }
0x7a: {  	_ =	shalt  }
0x7b: {  	_ =	shalt  }
0x7c: {  	_ =	shalt  }
0x7d: {  	_ =	shalt  }
0x7e: {  	_ =	shalt  }
0x7f: {  	_ =	shalt  }
0x80: {  	_ =	shalt  }
0x81: {  	_ =	shalt  }
0x82: {  	_ =	shalt  }
0x83: {  	_ =	shalt  }
0x84: {  	_ =	shalt  }
0x85: {  	_ =	shalt  }
0x86: {  	_ =	shalt  }
0x87: {  	_ =	shalt  }
.Lfunc_end0:
.L_simem_size_0:
called_computation_lowered:
.L_overlay_start_0:
0x88: {  	s2 =	sld [smem:$0x3FD9]  }
0x89: {  	s3 =	sld [smem:$0x3FFE];
	_ =	sdelay $0x1  }
0x8a: {  	s1 =	srdreg.scid  }
0x8b: {  	s0 =	sand.u32 $0x1, s1  }
0x8c: {  	s16 =	sshll.u32 s0, $0xA;
	s2 =	sadd.s32 s3, s2  }
0x8d: {  	s2 =	sadd.s32 s2, s16  }
0x8e: {  	[smem:$0x3FC2] =	sst s2  }
0x8f: {  	_ = 	snop  }
0x90: {  	(tm) =	ssettm $0x1  }
0x91: {  	s17 =	sld [smem:$0x3FFB];
	_ =	sdelay $0x3  }
0x92: {  	_ =	strace s17  }
0x93: {  	s2 =	sld [smem:$0x3FFC];
	_ =	sdelay $0x3  }
0x94: {  	_ =	strace s2  }
0x95: {  	s2 =	sld [smem:$0x3FFD];
	_ =	sdelay $0x3  }
0x96: {  	_ =	strace s2  }
0x97: {  	_ =	strace $0x8FFFFFFF  }
0x98: {  	s18 =	sld [smem:$0x3FDB];
	_ =	sdelay $0x1  }
0x99: {  	s19 =	simm.s32 $_scs_section_size  }
0x9a: {  	s4 =	simm.s32 $_size__tile_overlayer_lowered;
	s5 =	simm.s32 $_tile_overlayer_lowered  }
0x9b: {  	s22 =	simm.s32 $0x1BFF;
	s21 =	sshll.u32 s5, $0x1;
	s2 =	sadd.s32 s19, s18  }
0x9c: {  	s6 =	simm.s32 $0x0;
	s20 =	sshll.u32 s4, $0x1;
	s4 =	sadd.s32 s21, s2  }
0x9d: {  	[timem:s6], [sflag:s22] =	dma.local [hbm:s4], s20  }
0x9e: {  	_ =	swait.ge [sflag:s22], s20  }
0x9f: {  	s3 =	ssub.s32 $0x0, s20;
	[sflag:s22] =	ssyncset.done $0x0  }
0xa0: {  	[sflag:s22] =	ssyncadd.s32 s3;
	_ =	sdelay $0x1  }
0xa1: {  	s23 =	simm.s32 $0x1B8B  }
0xa2: {  	_ =	swait.ge [sflag:s23], $0x1  }
0xa3: {  	[sflag:s23] =	ssyncset.done $0x0  }
0xa4: {  	s25 =	simm.s32 $0x1B8E;
	s24 =	sld [smem:$0x3FFE];
	[sflag:s23] =	ssyncadd.s32 $0xFFFFFFFF  }
0xa5: {  	s26 =	simm.s32 $execute0_lowered;
	[smem:$0x3FD2] =	sst s25  }
0xa6: {  	s4 =	sshll.u32 s26, $0x1;
	_ =	strace $0x80000046;
	[dreg:$0x1] =	wrdreg $0xFFFFFFFF  }
0xa7: {  	s28 =	simm.s32 $_size_execute0_lowered;
	s2 =	sadd.s32 s2, s4;
	[dreg:$0x0] =	wrdreg $0x0  }
0xa8: {  	s4 =	sshll.u32 s28, $0x1;
	[dreg:$0x2] =	wrdreg s2  }
0xa9: {  	[dreg:$0x3] =	wrdreg s4  }
0xaa: {  	[dreg:$0x4] =	wrdreg $0xC0  }
0xab: {  	_ =	task [dreg:s6], $0x5FFFF  }
0xac: {  	[dreg:$0x1] =	wrdreg $0xFFFFFFFF  }
0xad: {  	[dreg:$0x0] =	wrdreg $0x60  }
0xae: {  	[dreg:$0x2] =	wrdreg s24  }
0xaf: {  	[dreg:$0x3] =	wrdreg $0x68000  }
0xb0: {  	[dreg:$0x4] =	wrdreg $0x9  }
0xb1: {  	_ =	task.clear_ibuf [dreg:s6], $0x5FFFF;
	_ =	strace $0x90000046  }
0xb2: {  	s29 =	simm.s32 $0x9;
	_ =	strace $0x80000048  }
0xb3: {  	_ =	swait.ge [sflag:s29], $0x1  }
0xb4: {  	[sflag:s29] =	ssyncadd.s32 $0xFFFFFFFF  }
0xb5: {  	_ =	strace $0x90000048  }
0xb6: {  	_ =	sfence  }
0xb7: {  	s30 =	sld [smem:$0x0];
	_ =	sdelay $0x2  }
0xb8: {  	s31 =	sshll.u32 s1, $0xD;
	s1 =	sshrl.u32 s1, $0x2  }
0xb9: {  	s3 =	sand.u32 $0x4000, s31;
	s1 =	sadd.s32 s1, s30  }
0xba: {  	s0 =	sor.u32 s3, s0;
	s1 =	sshll.u32 s1, $0x11  }
0xbb: {  	s0 =	sor.u32 s1, s0  }
0xbc: {  	s0 =	sadd.s32 $0x8F2B, s0  }
0xbd: {  	[sflag:s0] =	ssyncadd.remote.s32 $0x1  }
0xbe: {  	_ =	sfence.sel $0xFFFF  }
0xbf: {  	[dreg:$0x0] =	wrdreg $0xFFFFFFFF;
	(pc) =	sbr.abs _section_cstart, $3  }
0xc0: {  	[dreg:$0x1] =	wrdreg $0xFFFFFFFF  }
0xc1: {  	_ =	task.clear_ibuf [dreg:s6], $0x2FFFF;
	_ =	strace $0x9FFFFFFF  }
0xc2: {  	(tm) =	ssettm $0x7FFFFFFF  }
0xc3: {  	_ =	shalt  }
tec
execute0_lowered:
.L_overlay_start_1:
0x0: {  	(tag) =	ssettag $0x1  }
0x1: {  	s0 =	stileid.u32  }
0x2: {  	s1 =	srdreg.scid;
	s5 =	rddreg [dreg:$0x0]  }
0x3: {  	s2 =	rddreg [dreg:$0x1];
	s4 =	smul.u32 $0x500, s0  }
0x4: {  	s3 =	simm.s32 $0x0;
	s13 =	simm.s32 $0x80;
	s8 =	smul.u32 $0x140, s0  }
0x5: {  	s6 =	sand.u32 $0x1, s1;
	s1 =	rddreg [dreg:$0x2];
	s10 =	smul.u32 $0x50000, s0  }
0x6: {  	s15 =	simm.s32 $0x0;
	[smem:$0x7FF] =	sst s3;
	s30 =	smul.u32 $0x2800, s0  }
0x7: {  	s31 =	sshll.u32 s0, $0x6;
	s7 =	smul.u32 $0x1400, s6;
	_ =	strace $0x80000047  }
0x8: {  	s6 =	ssub.s32 $0x2, s6;
	s9 =	sadd.s32 s4, s5;
	s4 =	sadd.s32 $0x7200, s5  }
0x9: {  	s28 =	sshrl.u32 s6, $0x1;
	s29 =	sshrl.u32 s10, $0x2;
	s10 =	simm.s32 $0x2800  }
0xa: {  	s7 =	sadd.s32 s8, s7;
	s11 =	ssub.s32 s6, s28;
	s12 =	sadd.s32 s29, s2  }
0xb: {  	s6 =	sadd.s32 s4, s30;
	s8 =	sshll.u32 s7, $0x4;
	s7 =	sshll.u32 s7, $0x7  }
0xc: {  	s12 =	sshrl.u32 s12, $0x3;
	s8 =	sadd.s32 s8, s5;
	s5 =	sadd.s32 $0x2200, s9  }
0xd: {  	s14 =	sadd.s32 s7, s2;
	s9 =	simm.s32 $0x1;
	s7 =	sadd.s32 $0x2F200, s8  }
0xe: {  	s8 =	smax.u32 s11, $0x1;
	s11 =	sor.u32 $0x1C01, s31;
	s14 =	sshrl.u32 s14, $0x3  }
.LBB2_1:
0xf: {  	[tilespmem:s3], [sflag:$0x1] =	stream.linear.gather [hbm4b:s5+s3], $0x2800, $0x38;
	[tilespmem:$0x7C08] =	vst v63  }
0x10: {  	_ =	swait.ge [sflag:s9], $0x2800  }
0x11: {  	[sflag:s9] =	ssyncset.done $0x0  }
0x12: {  	[sflag:s9] =	ssyncadd.s32 $0xFFFFD800  }
0x13: {  	[tilespmem:s10], [sflag:$0x1] =	stream.linear.gather [hbm4b:s4+s3], $0x4000, $0x38;
	[tilespmem:$0x7C08] =	vst v63  }
0x14: {  	_ =	swait.ge [sflag:s9], $0x4000  }
0x15: {  	[sflag:s9] =	ssyncset.done $0x0  }
0x16: {  	[sflag:s9] =	ssyncadd.s32 $0xFFFFC000  }
0x17: {  	[spmem:s12], [sflag:s11] =	dma.local [hbm:s6], $0x2800  }
0x18: {  	_ =	swait.ge [sflag:s9], $0x2800  }
0x19: {  	[sflag:s9] =	ssyncset.done $0x0  }
0x1a: {  	[sflag:s9] =	ssyncadd.s32 $0xFFFFD800  }
0x1b: {  	s16 =	simm.s32 $0x0;
	[bflag:$0x0] =	sbarrier.arrive $0xFFFF  }
0x1c: {  	[spmem:s2] =	stream.indirect.scatter.add.f32 [tilespmem:s10], [sflag:$0x1], $0x8, s16, s13, $0xb8;
	[tilespmem:$0x7C08] =	vst v63  }
0x1d: {  	_ =	swait.ge [sflag:s9], $0x400  }
0x1e: {  	s16 =	simm.s32 $0x200;
	[sflag:s9] =	ssyncset.done $0x0  }
.LBB2_2:
0x1f: {  	s17 =	sshra.s32 s16, $0x2;
	[sflag:s9] =	ssyncadd.s32 $0xFFFFFC00;
	p0 =	sne.s32 s16, $0x9E00  }
0x20: {  	[spmem:s2] =	stream.indirect.scatter.add.f32 [tilespmem:s10], [sflag:$0x1], $0x8, s17, s13, $0xb8;
	[tilespmem:$0x7C08] =	vst v63  }
.Ltmp0:
0x21: {  	_ = 	snop;
	(pc) =	sbr.rel @p0 .LBB2_2-.Ltmp0, $4  }
0x22: {  	_ = 	snop  }
0x23: {  	s16 =	sadd.s32 $0x200, s16  }
0x24: {  	_ =	swait.ge [sflag:s9], $0x400  }
0x25: {  	[sflag:s9] =	ssyncset.done $0x0  }
0x26: {  	s15 =	sadd.s32 $0x1, s15  }
0x27: {  	[sflag:s9] =	ssyncadd.s32 $0xFFFFFC00;
	p0 =	sne.s32 s15, s8  }
.Ltmp1:
0x28: {  	[bflag:$0x0] =	sbarrier.arrive $0xFFFF;
	(pc) =	sbr.rel @p0 .LBB2_1-.Ltmp1, $4  }
0x29: {  	[hbm:s7], [sflag:s11] =	dma.local [spmem:s14], $0x1400  }
0x2a: {  	_ =	swait.ge [sflag:s9], $0x1400  }
0x2b: {  	[sflag:s9] =	ssyncset.done $0x0  }
0x2c: {  	[sflag:s9] =	ssyncadd.s32 $0xFFFFEC00  }
0x2d: {  	_ =	sfence.sel $0x180000  }
0x2e: {  	[bflag:$0x0] =	sbarrier.arrive $0xFFFF  }
0x2f: {  	p0 =	sne.s32 s0, $0x0;
	_ =	strace $0x90000047  }
0x30: {  	s0 =	sadd.s32 @!p0 $0x100000, s1;
	[bflag:$0x2] =	sbarrier.arrive $0xFFFF  }
0x31: {  	[sflag:s0] =	ssyncadd.tile.s32 @!p0 $0x1;
	_ =	shalt  }
.Lfunc_end2:
_tile_overlayer_lowered:
.L_overlay_start_2:
0x32: {  	(tag) =	ssettag $0x2  }
0x33: {  	s0 =	rddreg [dreg:$0x0];
	s2 =	stileid.u32  }
0x34: {  	s1 =	rddreg [dreg:$0x1];
	p0 =	sne.s32 s2, $0x0  }
0x35: {  	s3 =	rddreg [dreg:$0x2];
	[bflag:$0x3] =	sbarrier.arrive $0xFFFF;
	s2 =	simm.s32 @!p0 $0x1C01  }
0x36: {  	[timem:s3], [sflag:s2] =	dma.local @!p0 [hbm:s0], s1  }
0x37: {  	s0 =	simm.s32 @!p0 $0x1  }
0x38: {  	_ =	swait.ge @!p0 [sflag:s0], s1  }
0x39: {  	s1 =	ssub.s32 @!p0 $0x0, s1;
	[sflag:s0] =	ssyncset.done @!p0 $0x0  }
0x3a: {  	[sflag:s0] =	ssyncadd.s32 @!p0 s1  }
0x3b: {  	[bflag:$0x3] =	sbarrier.arrive $0xFFFF  }
0x3c: {  	_ =	shalt  }

</sc_bundles>
